<compile_context>
chip_gen: v7x
topology: tpu7x:2x2x1
jax: 0.10.2.dev20260603
libtpu: 0.0.44.dev20260713+nightly
codegen_flags: <defaults>
</compile_context>

<pallas_src>
import functools

import jax
import jax.numpy as jnp
from jax import lax
from jax.experimental import pallas as pl
from jax.experimental.pallas import tpu as pltpu
from jax.experimental.pallas import tpu_sc as plsc

B = 32; L = 12; N = 883; C = 3
NP = 896
BPG = 2
TOPK = 20
TOD = 288; DOW = 7; SEQ_OUT = 12
HID = 128


_GW = 32
_GCHUNKS = NP // 128


def _sc_gather(table, idx):
    mesh = plsc.VectorSubcoreMesh(core_axis_name="c", subcore_axis_name="s")

    @functools.partial(
        pl.kernel, mesh=mesh,
        out_type=jax.ShapeDtypeStruct((B, NP, 128), jnp.float32),
        scratch_types=[
            pltpu.VMEM((_GCHUNKS, 128), jnp.int32),
            pltpu.VMEM((NP, 128), jnp.float32),
            pltpu.SemaphoreType.DMA,
        ],
    )
    def k(table_hbm, idx_hbm, out_hbm, idx_v, rows_v, sem):
        wid = lax.axis_index("s") * 2 + lax.axis_index("c")
        pltpu.sync_copy(idx_hbm.at[wid], idx_v)
        copies = [
            pltpu.async_copy(table_hbm.at[idx_v.at[j]],
                             rows_v.at[pl.ds(j * 128, 128)], sem)
            for j in range(_GCHUNKS)
        ]
        for c in copies:
            c.wait()
        pltpu.sync_copy(rows_v, out_hbm.at[wid])

    return k(table, idx)


def _kth_largest_cols(x, k, nbits=30):
    cols = x.shape[1]
    kf = jnp.float32(k)

    def body(_, carry):
        lo, hi = carry
        mid = lo + (hi - lo) // 2
        t = lax.bitcast_convert_type(mid, jnp.float32)
        c = jnp.sum((x >= t).astype(jnp.float32), axis=0, keepdims=True)
        ge = c >= kf
        return jnp.where(ge, mid, lo), jnp.where(ge, hi, mid)

    lo0 = jnp.zeros((1, cols), jnp.int32)
    hi0 = jnp.full((1, cols), 0x3F800001, jnp.int32)
    lo, _ = lax.fori_loop(0, nbits, body, (lo0, hi0))
    return lax.bitcast_convert_type(lo, jnp.float32)


def _kth_largest_cols_multi(xs, k, nbits=30):
    n = len(xs)
    cols = xs[0].shape[1]
    kf = jnp.float32(k)

    def body(_, carry):
        out = []
        for j in range(n):
            lo, hi = carry[2 * j], carry[2 * j + 1]
            mid = lo + (hi - lo) // 2
            t = lax.bitcast_convert_type(mid, jnp.float32)
            c = jnp.sum((xs[j] >= t).astype(jnp.float32), axis=0,
                        keepdims=True)
            ge = c >= kf
            out += [jnp.where(ge, mid, lo), jnp.where(ge, hi, mid)]
        return tuple(out)

    lo0 = jnp.zeros((1, cols), jnp.int32)
    hi0 = jnp.full((1, cols), 0x3F800001, jnp.int32)
    res = lax.fori_loop(0, nbits, body, (lo0, hi0) * n)
    return [lax.bitcast_convert_type(res[2 * j], jnp.float32)
            for j in range(n)]


def _main_body(hist_ref, td_ref, ne_ref, neu_ref, ned_ref, e1_ref,
               Wts_ref, bts_ref,
               W1a_ref, b1a_ref, W1b_ref, b1b_ref, W1c_ref, b1c_ref,
               Wf_ref, bf_ref, out_ref, static_scr):
    b = pl.program_id(0)

    @pl.when(b == 0)
    def _():
        rT = lax.dot_general(neu_ref[...], ned_ref[...],
                             (((1,), (1,)), ((), ())),
                             preferred_element_type=jnp.float32)
        row_i = lax.broadcasted_iota(jnp.int32, (NP, NP), 0)
        col = lax.broadcasted_iota(jnp.int32, (NP, NP), 1)
        valid = row_i < N
        rT = jnp.where(valid, jnp.maximum(rT, 0.0), -1e30)
        m = jnp.max(rT, axis=0, keepdims=True)
        e = jnp.exp(rT - m)
        sgT = e / jnp.sum(e, axis=0, keepdims=True)
        thr = _kth_largest_cols(sgT, TOPK)
        gt = sgT > thr
        ties = (sgT == thr) & valid
        tri = (row_i >= col).astype(jnp.float32)
        rank = lax.dot_general(tri, ties.astype(jnp.float32),
                               (((1,), (0,)), ((), ())),
                               preferred_element_type=jnp.float32)
        need = jnp.float32(TOPK) - jnp.sum(gt.astype(jnp.float32), axis=0,
                                           keepdims=True)
        keep = gt | (ties & (rank <= need))
        eye = (row_i == col).astype(jnp.float32)
        static_scr[...] = jnp.where(keep, sgT, 0.0) + eye

    Hs, adjs = [], []
    for i in range(BPG):
        ts = jnp.dot(hist_ref[i], Wts_ref[...],
                     preferred_element_type=jnp.float32) + bts_ref[...]
        H = jnp.concatenate([ts, ne_ref[...], td_ref[i][:, :64]],
                            axis=1)

        h1 = jnp.maximum(jnp.dot(H, W1a_ref[...],
                                 preferred_element_type=jnp.float32)
                         + b1a_ref[...], 0.0)
        h2 = jnp.maximum(jnp.dot(h1, W1b_ref[...],
                                 preferred_element_type=jnp.float32)
                         + b1b_ref[...], 0.0)
        f1 = jnp.dot(h2, W1c_ref[...],
                     preferred_element_type=jnp.float32) + b1c_ref[...]
        nv = jnp.tanh(e1_ref[...] * f1)

        a = lax.dot_general(nv, nv, (((1,), (1,)), ((), ())),
                            preferred_element_type=jnp.float32)
        Hs.append(H)
        adjs.append(jnp.maximum(jnp.tanh(a), 0.0))

    thrs = _kth_largest_cols_multi(adjs, TOPK)

    for i in range(BPG):
        dynT = jnp.where(adjs[i] >= thrs[i], adjs[i], 0.0)
        hs = lax.dot_general(static_scr[...], Hs[i], (((0,), (0,)), ((), ())),
                             preferred_element_type=jnp.float32)
        hd = lax.dot_general(dynT, Hs[i], (((0,), (0,)), ((), ())),
                             preferred_element_type=jnp.float32)
        fused = jnp.maximum(hs + hd, 0.0)
        out_ref[i] = jnp.dot(fused, Wf_ref[...],
                             preferred_element_type=jnp.float32) + bf_ref[...]


def kernel(history_data, TID, DIW, node_emb, node_emb_u, node_emb_d,
           emb1_w, emb2_w, Wts, bts, W1a, b1a, W1b, b1b, W1c, b1c,
           W2a, b2a, W2b, b2b, W2c, b2c, W_fore, b_fore):
    f32 = jnp.float32
    tid_idx = (history_data[:, -1, :, 1] * TOD).astype(jnp.int32)
    diw_idx = (history_data[:, -1, :, 2] * DOW).astype(jnp.int32)
    pad_n = NP - N
    table = jnp.concatenate([
        jnp.broadcast_to(TID[:, None, :], (TOD, DOW, 32)),
        jnp.broadcast_to(DIW[None, :, :], (TOD, DOW, 32)),
    ], axis=-1).reshape(TOD * DOW, 64)
    table = jnp.pad(table, ((0, 0), (0, 64)))
    comb_idx = jnp.pad(tid_idx * DOW + diw_idx,
                       ((0, 0), (0, pad_n))).reshape(B, NP // 128, 128)
    td = _sc_gather(table, comb_idx)
    hist2 = history_data.transpose(0, 2, 1, 3).reshape(B, N, L * C)
    hist2 = jnp.pad(hist2, ((0, 0), (0, pad_n), (0, 0)))
    ne_p = jnp.pad(node_emb, ((0, pad_n), (0, 0)))
    neu_p = jnp.pad(node_emb_u, ((0, pad_n), (0, 0)))
    ned_p = jnp.pad(node_emb_d, ((0, pad_n), (0, 0)))
    e1_p = jnp.pad(emb1_w, ((0, pad_n), (0, 0)))

    full = lambda shape: pl.BlockSpec(shape, lambda b: (0,) * len(shape))
    perb2 = lambda shape: pl.BlockSpec((BPG,) + shape, lambda b: (b, 0, 0))

    out = pl.pallas_call(
        _main_body,
        grid=(B // BPG,),
        in_specs=[
            perb2((NP, L * C)),
            perb2((NP, 128)),
            full((NP, 32)),
            full((NP, 32)),
            full((NP, 32)),
            full((NP, 40)),
            full((L * C, 32)),
            full((1, 32)),
            full((HID, 64)),
            full((1, 64)),
            full((64, 64)),
            full((1, 64)),
            full((64, 40)),
            full((1, 40)),
            full((HID, SEQ_OUT)),
            full((1, SEQ_OUT)),
        ],
        out_specs=perb2((NP, SEQ_OUT)),
        out_shape=jax.ShapeDtypeStruct((B, NP, SEQ_OUT), f32),
        scratch_shapes=[pltpu.VMEM((NP, NP), f32)],
    )(hist2, td, ne_p, neu_p, ned_p, e1_p,
      Wts, bts[None, :], W1a, b1a[None, :], W1b, b1b[None, :],
      W1c, b1c[None, :], W_fore, b_fore[None, :])
    return out[:, :N, :]

# --- scband reference (transcript-rebuilt; emitter-appended) ---
"""Pipeline reference for scband-destgnn-18021682774695 (READ-ONLY COPY).

The authoritative reference and input builder live on the scoring server;
editing this copy changes nothing except your own understanding.
"""

import jax, jax.numpy as jnp
import numpy as np

B = 32; L = 12; N = 883; C = 3
EMBED = 32; NODE_DIM_TCN = 32; TID_D = 32; DIW_D = 32
NODE_HIDDEN = 32; NODE_DIM = 40; TOPK = 20
TOD = 288; DOW = 7; SEQ_OUT = 12
HID = EMBED + NODE_DIM_TCN + TID_D + DIW_D  # 128, matches Linear(128, 64)


def _mlp(x, Wa, ba, Wb, bb, Wc, bc):
    # Sequential(fc1, dropout(eval=id), relu, fc2, dropout, relu, fc3, dropout)
    h = jax.nn.relu(x @ Wa + ba)
    h = jax.nn.relu(h @ Wb + bb)
    return h @ Wc + bc


def setup_inputs(seed: int = 0):
    key = jax.random.key(seed)
    ks = jax.random.split(key, 26)
    def nrm(k, shape, s=0.1):
        return jax.random.normal(k, shape, dtype=jnp.float32) * s
    return {
        'history_data': jax.random.uniform(ks[0], (B, L, N, C), dtype=jnp.float32),
        'TID': nrm(ks[1], (TOD, TID_D)),
        'DIW': nrm(ks[2], (DOW, DIW_D)),
        'node_emb': nrm(ks[3], (N, NODE_DIM_TCN)),
        'node_emb_u': nrm(ks[4], (N, NODE_HIDDEN)),
        'node_emb_d': nrm(ks[5], (N, NODE_HIDDEN)),
        'emb1_w': nrm(ks[6], (N, NODE_DIM)),
        'emb2_w': nrm(ks[7], (N, NODE_DIM)),
        'Wts': nrm(ks[8], (C * L, EMBED)),
        'bts': jnp.zeros((EMBED,), jnp.float32),
        'W1a': nrm(ks[9], (HID, 64)), 'b1a': jnp.zeros((64,), jnp.float32),
        'W1b': nrm(ks[10], (64, 64)), 'b1b': jnp.zeros((64,), jnp.float32),
        'W1c': nrm(ks[11], (64, NODE_DIM)), 'b1c': jnp.zeros((NODE_DIM,), jnp.float32),
        'W2a': nrm(ks[12], (HID, 64)), 'b2a': jnp.zeros((64,), jnp.float32),
        'W2b': nrm(ks[13], (64, 64)), 'b2b': jnp.zeros((64,), jnp.float32),
        'W2c': nrm(ks[14], (64, NODE_DIM)), 'b2c': jnp.zeros((NODE_DIM,), jnp.float32),
        'W_fore': nrm(ks[15], (HID, SEQ_OUT)),
        'b_fore': jnp.zeros((SEQ_OUT,), jnp.float32),
    }


def reference(history_data, TID, DIW, node_emb, node_emb_u, node_emb_d, emb1_w, emb2_w,
              Wts, bts, W1a, b1a, W1b, b1b, W1c, b1c, W2a, b2a, W2b, b2b, W2c, b2c,
              W_fore, b_fore):
    # ---- _stemb ----
    tid_idx = (history_data[:, -1, :, 1] * TOD).astype(jnp.int32)   # [B, N]
    diw_idx = (history_data[:, -1, :, 2] * DOW).astype(jnp.int32)   # [B, N]
    time_in_day_emb = TID[tid_idx]                                  # gather [B, N, 32]
    day_in_week_emb = DIW[diw_idx]                                  # gather [B, N, 32]
    spatial_emb = jnp.broadcast_to(node_emb[None], (B, N, NODE_DIM_TCN)).transpose(0, 2, 1)[..., None]
    temporal_d_emb = time_in_day_emb.transpose(0, 2, 1)[..., None]
    temporal_w_emb = day_in_week_emb.transpose(0, 2, 1)[..., None]
    hist = history_data[..., :C]                                     # [B, L, N, C]
    # ---- time series embedding (1x1 Conv2d over flattened L*C) ----
    x = hist.transpose(0, 2, 1, 3).reshape(B, N, L * C).transpose(0, 2, 1)  # [B, L*C, N]
    ts_emb = (jnp.einsum('bin,io->bon', x, Wts) + bts[None, :, None])[..., None]  # [B, EMBED, N, 1]
    hidden = jnp.concatenate([ts_emb, spatial_emb, temporal_d_emb, temporal_w_emb], axis=1)  # [B, 128, N, 1]
    # ---- static graph: softmax(relu(E_d @ E_u^T)) with top-k scatter mask ----
    sg = jax.nn.softmax(jax.nn.relu(node_emb_d @ node_emb_u.T), axis=1)  # [N, N]
    _vals, idxk = jax.lax.top_k(sg, TOPK)
    mask = jnp.zeros((N, N), jnp.float32).at[jnp.arange(N)[:, None], idxk].set(1.0)
    static_graph = sg * mask
    # ---- dynamic graph ----
    input_ge = hidden[..., 0].transpose(0, 2, 1)                     # [B, N, 128]
    filter1 = _mlp(input_ge, W1a, b1a, W1b, b1b, W1c, b1c)           # [B, N, 40]
    filter2 = _mlp(input_ge, W2a, b2a, W2b, b2b, W2c, b2c)
    nodevec1 = jnp.tanh(emb1_w[None] * filter1)                      # [B, N, 40]
    nodevec2 = jnp.tanh(emb2_w[None] * filter2)                      # computed but unused (faithful to source)
    a = jnp.einsum('bnd,bmd->bnm', nodevec1, nodevec1)               # [B, N, N]
    adj = jax.nn.relu(jnp.tanh(a))
    atop, _ = jax.lax.top_k(adj, TOPK)
    a_min = atop[..., -1:]                                           # k-th largest per row
    dynamic_graph = jnp.where(adj >= a_min, adj, jnp.zeros_like(adj))
    # ---- forecast layer (stand-in for undefined Net: static + dynamic graph propagation + linear head) ----
    h = hidden[..., 0]                                               # [B, 128, N]
    hs = jnp.einsum('mn,bcn->bcm', static_graph, h)
    hd = jnp.einsum('bmn,bcn->bcm', dynamic_graph, h)
    fused = jax.nn.relu(hs + hd + h)
    forecast_hidden = jnp.einsum('bcn,cl->bln', fused, W_fore) + b_fore[None, :, None]  # [B, SEQ_OUT, N]
    forecast = forecast_hidden.transpose(0, 2, 1)                    # [B, N, SEQ_OUT]
    return forecast

if __name__ == "__main__":
    import jax
    _d = setup_inputs()
    print(jax.jit(kernel)(*tuple(_d.values())))

</pallas_src>

<mosaic_0001>
#map = affine_map<(d0, d1) -> (0, 0)>
#map1 = affine_map<(d0, d1) -> (0, 0, 0)>
module attributes {stable_mosaic.version = 14 : i64} {
  func.func @k(%arg0: i32, %arg1: i32, %arg2: memref<2016x128xf32, #tpu.memory_space<hbm>>, %arg3: memref<32x7x128xi32, #tpu.memory_space<hbm>>, %arg4: memref<32x896x128xf32, #tpu.memory_space<hbm>>, %arg5: memref<7x128xi32, #tpu.memory_space<vmem>>, %arg6: memref<896x128xf32, #tpu.memory_space<vmem>>, %arg7: memref<!tpu.dma_semaphore, #tpu.memory_space<semaphore_mem>>) attributes {dimension_semantics = [#tpu.dimension_semantics<core_parallel>, #tpu.dimension_semantics<subcore_parallel>], iteration_bounds = array<i64: 2, 16>, scalar_prefetch = 0 : i64, scratch_operands = 3 : i64, tpu.core_type = #tpu.core_type<sc_vector_subcore>, window_params = [{transform_indices = #map}, {transform_indices = #map1}, {transform_indices = #map1}]} {
    %mul3A = arith.constant 2 : i32
    %mul3A_0 = arith.muli %arg1, %mul3A : i32
    %add3A = arith.addi %mul3A_0, %arg0 : i32
    "tpu.region"() ({
      %run_scoped3A = tpu.sem_alloc : memref<!tpu.dma_semaphore, #tpu.memory_space<semaphore_mem>>
      %dma_start3A_139 = arith.constant 0 : i32
      %dma_start3A_140 = arith.constant 0 : i32
      %dma_start3A_141 = tpu.memref_slice %arg3[%add3A, %dma_start3A_139, %dma_start3A_140] : memref<32x7x128xi32, #tpu.memory_space<hbm>> -> memref<1x7x128xi32, #tpu.memory_space<hbm>>
      %dma_start3A_142 = tpu.memref_squeeze %dma_start3A_141 : memref<1x7x128xi32, #tpu.memory_space<hbm>> -> memref<7x128xi32, #tpu.memory_space<hbm>>
      %dma_start3A_143 = arith.constant 0 : i32
      %dma_start3A_144 = arith.constant 0 : i32
      %dma_start3A_145 = tpu.memref_slice %arg3[%add3A, %dma_start3A_143, %dma_start3A_144] : memref<32x7x128xi32, #tpu.memory_space<hbm>> -> memref<1x7x128xi32, #tpu.memory_space<hbm>>
      %dma_start3A_146 = tpu.memref_squeeze %dma_start3A_145 : memref<1x7x128xi32, #tpu.memory_space<hbm>> -> memref<7x128xi32, #tpu.memory_space<hbm>>
      tpu.enqueue_dma source(%dma_start3A_146 : memref<7x128xi32, #tpu.memory_space<hbm>>) target(%arg5 : memref<7x128xi32, #tpu.memory_space<vmem>>) target_semaphore(%run_scoped3A : memref<!tpu.dma_semaphore, #tpu.memory_space<semaphore_mem>>)
      %dma_wait3A_147 = arith.constant 0 : i32
      %dma_wait3A_148 = arith.constant 0 : i32
      %dma_wait3A_149 = tpu.memref_slice %arg3[%add3A, %dma_wait3A_147, %dma_wait3A_148] : memref<32x7x128xi32, #tpu.memory_space<hbm>> -> memref<1x7x128xi32, #tpu.memory_space<hbm>>
      %dma_wait3A_150 = tpu.memref_squeeze %dma_wait3A_149 : memref<1x7x128xi32, #tpu.memory_space<hbm>> -> memref<7x128xi32, #tpu.memory_space<hbm>>
      %dma_wait3A_151 = arith.constant 0 : i32
      %dma_wait3A_152 = arith.constant 0 : i32
      %dma_wait3A_153 = tpu.memref_slice %arg3[%add3A, %dma_wait3A_151, %dma_wait3A_152] : memref<32x7x128xi32, #tpu.memory_space<hbm>> -> memref<1x7x128xi32, #tpu.memory_space<hbm>>
      %dma_wait3A_154 = tpu.memref_squeeze %dma_wait3A_153 : memref<1x7x128xi32, #tpu.memory_space<hbm>> -> memref<7x128xi32, #tpu.memory_space<hbm>>
      tpu.wait_dma2 semaphore(%run_scoped3A : memref<!tpu.dma_semaphore, #tpu.memory_space<semaphore_mem>>) src(%dma_wait3A_154 : memref<7x128xi32, #tpu.memory_space<hbm>>) dst(%arg5 : memref<7x128xi32, #tpu.memory_space<vmem>>)
      tpu.yield
    }) : () -> ()
    %dma_start3A = arith.constant 0 : i32
    %dma_start3A_1 = arith.constant 0 : i32
    %dma_start3A_2 = arith.constant 0 : i32
    %dma_start3A_3 = tpu.memref_slice %arg6[%dma_start3A_1, %dma_start3A_2] : memref<896x128xf32, #tpu.memory_space<vmem>> -> memref<128x128xf32, #tpu.memory_space<vmem>>
    %dma_start3A_4 = arith.constant 0 : i32
    %dma_start3A_5 = tpu.memref_slice %arg5[%dma_start3A, %dma_start3A_4] : memref<7x128xi32, #tpu.memory_space<vmem>> -> memref<1x128xi32, #tpu.memory_space<vmem>>
    %dma_start3A_6 = tpu.memref_squeeze %dma_start3A_5 : memref<1x128xi32, #tpu.memory_space<vmem>> -> memref<128xi32, #tpu.memory_space<vmem>>
    %dma_start3A_7 = arith.constant 0 : i32
    %dma_start3A_8 = arith.constant 0 : i32
    %dma_start3A_9 = tpu.memref_slice %arg2[%dma_start3A_7, %dma_start3A_8] : memref<2016x128xf32, #tpu.memory_space<hbm>> -> memref<2016x128xf32, #tpu.memory_space<hbm>>
    tpu.enqueue_indirect_dma source(%dma_start3A_9 : memref<2016x128xf32, #tpu.memory_space<hbm>>) target(%dma_start3A_3 : memref<128x128xf32, #tpu.memory_space<vmem>>) offsets(%dma_start3A_6 : memref<128xi32, #tpu.memory_space<vmem>>) semaphore(%arg7 : memref<!tpu.dma_semaphore, #tpu.memory_space<semaphore_mem>>)
    %dma_start3A_10 = arith.constant 1 : i32
    %dma_start3A_11 = arith.constant 128 : i32
    %dma_start3A_12 = arith.constant 0 : i32
    %dma_start3A_13 = tpu.memref_slice %arg6[%dma_start3A_11, %dma_start3A_12] : memref<896x128xf32, #tpu.memory_space<vmem>> -> memref<128x128xf32, #tpu.memory_space<vmem>>
    %dma_start3A_14 = arith.constant 0 : i32
    %dma_start3A_15 = tpu.memref_slice %arg5[%dma_start3A_10, %dma_start3A_14] : memref<7x128xi32, #tpu.memory_space<vmem>> -> memref<1x128xi32, #tpu.memory_space<vmem>>
    %dma_start3A_16 = tpu.memref_squeeze %dma_start3A_15 : memref<1x128xi32, #tpu.memory_space<vmem>> -> memref<128xi32, #tpu.memory_space<vmem>>
    %dma_start3A_17 = arith.constant 0 : i32
    %dma_start3A_18 = arith.constant 0 : i32
    %dma_start3A_19 = tpu.memref_slice %arg2[%dma_start3A_17, %dma_start3A_18] : memref<2016x128xf32, #tpu.memory_space<hbm>> -> memref<2016x128xf32, #tpu.memory_space<hbm>>
    tpu.enqueue_indirect_dma source(%dma_start3A_19 : memref<2016x128xf32, #tpu.memory_space<hbm>>) target(%dma_start3A_13 : memref<128x128xf32, #tpu.memory_space<vmem>>) offsets(%dma_start3A_16 : memref<128xi32, #tpu.memory_space<vmem>>) semaphore(%arg7 : memref<!tpu.dma_semaphore, #tpu.memory_space<semaphore_mem>>)
    %dma_start3A_20 = arith.constant 2 : i32
    %dma_start3A_21 = arith.constant 256 : i32
    %dma_start3A_22 = arith.constant 0 : i32
    %dma_start3A_23 = tpu.memref_slice %arg6[%dma_start3A_21, %dma_start3A_22] : memref<896x128xf32, #tpu.memory_space<vmem>> -> memref<128x128xf32, #tpu.memory_space<vmem>>
    %dma_start3A_24 = arith.constant 0 : i32
    %dma_start3A_25 = tpu.memref_slice %arg5[%dma_start3A_20, %dma_start3A_24] : memref<7x128xi32, #tpu.memory_space<vmem>> -> memref<1x128xi32, #tpu.memory_space<vmem>>
    %dma_start3A_26 = tpu.memref_squeeze %dma_start3A_25 : memref<1x128xi32, #tpu.memory_space<vmem>> -> memref<128xi32, #tpu.memory_space<vmem>>
    %dma_start3A_27 = arith.constant 0 : i32
    %dma_start3A_28 = arith.constant 0 : i32
    %dma_start3A_29 = tpu.memref_slice %arg2[%dma_start3A_27, %dma_start3A_28] : memref<2016x128xf32, #tpu.memory_space<hbm>> -> memref<2016x128xf32, #tpu.memory_space<hbm>>
    tpu.enqueue_indirect_dma source(%dma_start3A_29 : memref<2016x128xf32, #tpu.memory_space<hbm>>) target(%dma_start3A_23 : memref<128x128xf32, #tpu.memory_space<vmem>>) offsets(%dma_start3A_26 : memref<128xi32, #tpu.memory_space<vmem>>) semaphore(%arg7 : memref<!tpu.dma_semaphore, #tpu.memory_space<semaphore_mem>>)
    %dma_start3A_30 = arith.constant 3 : i32
    %dma_start3A_31 = arith.constant 384 : i32
    %dma_start3A_32 = arith.constant 0 : i32
    %dma_start3A_33 = tpu.memref_slice %arg6[%dma_start3A_31, %dma_start3A_32] : memref<896x128xf32, #tpu.memory_space<vmem>> -> memref<128x128xf32, #tpu.memory_space<vmem>>
    %dma_start3A_34 = arith.constant 0 : i32
    %dma_start3A_35 = tpu.memref_slice %arg5[%dma_start3A_30, %dma_start3A_34] : memref<7x128xi32, #tpu.memory_space<vmem>> -> memref<1x128xi32, #tpu.memory_space<vmem>>
    %dma_start3A_36 = tpu.memref_squeeze %dma_start3A_35 : memref<1x128xi32, #tpu.memory_space<vmem>> -> memref<128xi32, #tpu.memory_space<vmem>>
    %dma_start3A_37 = arith.constant 0 : i32
    %dma_start3A_38 = arith.constant 0 : i32
    %dma_start3A_39 = tpu.memref_slice %arg2[%dma_start3A_37, %dma_start3A_38] : memref<2016x128xf32, #tpu.memory_space<hbm>> -> memref<2016x128xf32, #tpu.memory_space<hbm>>
    tpu.enqueue_indirect_dma source(%dma_start3A_39 : memref<2016x128xf32, #tpu.memory_space<hbm>>) target(%dma_start3A_33 : memref<128x128xf32, #tpu.memory_space<vmem>>) offsets(%dma_start3A_36 : memref<128xi32, #tpu.memory_space<vmem>>) semaphore(%arg7 : memref<!tpu.dma_semaphore, #tpu.memory_space<semaphore_mem>>)
    %dma_start3A_40 = arith.constant 4 : i32
    %dma_start3A_41 = arith.constant 512 : i32
    %dma_start3A_42 = arith.constant 0 : i32
    %dma_start3A_43 = tpu.memref_slice %arg6[%dma_start3A_41, %dma_start3A_42] : memref<896x128xf32, #tpu.memory_space<vmem>> -> memref<128x128xf32, #tpu.memory_space<vmem>>
    %dma_start3A_44 = arith.constant 0 : i32
    %dma_start3A_45 = tpu.memref_slice %arg5[%dma_start3A_40, %dma_start3A_44] : memref<7x128xi32, #tpu.memory_space<vmem>> -> memref<1x128xi32, #tpu.memory_space<vmem>>
    %dma_start3A_46 = tpu.memref_squeeze %dma_start3A_45 : memref<1x128xi32, #tpu.memory_space<vmem>> -> memref<128xi32, #tpu.memory_space<vmem>>
    %dma_start3A_47 = arith.constant 0 : i32
    %dma_start3A_48 = arith.constant 0 : i32
    %dma_start3A_49 = tpu.memref_slice %arg2[%dma_start3A_47, %dma_start3A_48] : memref<2016x128xf32, #tpu.memory_space<hbm>> -> memref<2016x128xf32, #tpu.memory_space<hbm>>
    tpu.enqueue_indirect_dma source(%dma_start3A_49 : memref<2016x128xf32, #tpu.memory_space<hbm>>) target(%dma_start3A_43 : memref<128x128xf32, #tpu.memory_space<vmem>>) offsets(%dma_start3A_46 : memref<128xi32, #tpu.memory_space<vmem>>) semaphore(%arg7 : memref<!tpu.dma_semaphore, #tpu.memory_space<semaphore_mem>>)
    %dma_start3A_50 = arith.constant 5 : i32
    %dma_start3A_51 = arith.constant 640 : i32
    %dma_start3A_52 = arith.constant 0 : i32
    %dma_start3A_53 = tpu.memref_slice %arg6[%dma_start3A_51, %dma_start3A_52] : memref<896x128xf32, #tpu.memory_space<vmem>> -> memref<128x128xf32, #tpu.memory_space<vmem>>
    %dma_start3A_54 = arith.constant 0 : i32
    %dma_start3A_55 = tpu.memref_slice %arg5[%dma_start3A_50, %dma_start3A_54] : memref<7x128xi32, #tpu.memory_space<vmem>> -> memref<1x128xi32, #tpu.memory_space<vmem>>
    %dma_start3A_56 = tpu.memref_squeeze %dma_start3A_55 : memref<1x128xi32, #tpu.memory_space<vmem>> -> memref<128xi32, #tpu.memory_space<vmem>>
    %dma_start3A_57 = arith.constant 0 : i32
    %dma_start3A_58 = arith.constant 0 : i32
    %dma_start3A_59 = tpu.memref_slice %arg2[%dma_start3A_57, %dma_start3A_58] : memref<2016x128xf32, #tpu.memory_space<hbm>> -> memref<2016x128xf32, #tpu.memory_space<hbm>>
    tpu.enqueue_indirect_dma source(%dma_start3A_59 : memref<2016x128xf32, #tpu.memory_space<hbm>>) target(%dma_start3A_53 : memref<128x128xf32, #tpu.memory_space<vmem>>) offsets(%dma_start3A_56 : memref<128xi32, #tpu.memory_space<vmem>>) semaphore(%arg7 : memref<!tpu.dma_semaphore, #tpu.memory_space<semaphore_mem>>)
    %dma_start3A_60 = arith.constant 6 : i32
    %dma_start3A_61 = arith.constant 768 : i32
    %dma_start3A_62 = arith.constant 0 : i32
    %dma_start3A_63 = tpu.memref_slice %arg6[%dma_start3A_61, %dma_start3A_62] : memref<896x128xf32, #tpu.memory_space<vmem>> -> memref<128x128xf32, #tpu.memory_space<vmem>>
    %dma_start3A_64 = arith.constant 0 : i32
    %dma_start3A_65 = tpu.memref_slice %arg5[%dma_start3A_60, %dma_start3A_64] : memref<7x128xi32, #tpu.memory_space<vmem>> -> memref<1x128xi32, #tpu.memory_space<vmem>>
    %dma_start3A_66 = tpu.memref_squeeze %dma_start3A_65 : memref<1x128xi32, #tpu.memory_space<vmem>> -> memref<128xi32, #tpu.memory_space<vmem>>
    %dma_start3A_67 = arith.constant 0 : i32
    %dma_start3A_68 = arith.constant 0 : i32
    %dma_start3A_69 = tpu.memref_slice %arg2[%dma_start3A_67, %dma_start3A_68] : memref<2016x128xf32, #tpu.memory_space<hbm>> -> memref<2016x128xf32, #tpu.memory_space<hbm>>
    tpu.enqueue_indirect_dma source(%dma_start3A_69 : memref<2016x128xf32, #tpu.memory_space<hbm>>) target(%dma_start3A_63 : memref<128x128xf32, #tpu.memory_space<vmem>>) offsets(%dma_start3A_66 : memref<128xi32, #tpu.memory_space<vmem>>) semaphore(%arg7 : memref<!tpu.dma_semaphore, #tpu.memory_space<semaphore_mem>>)
    %dma_wait3A = arith.constant 0 : i32
    %dma_wait3A_70 = arith.constant 0 : i32
    %dma_wait3A_71 = arith.constant 0 : i32
    %dma_wait3A_72 = tpu.memref_slice %arg6[%dma_wait3A_70, %dma_wait3A_71] : memref<896x128xf32, #tpu.memory_space<vmem>> -> memref<128x128xf32, #tpu.memory_space<vmem>>
    %dma_wait3A_73 = arith.constant 0 : i32
    %dma_wait3A_74 = tpu.memref_slice %arg5[%dma_wait3A, %dma_wait3A_73] : memref<7x128xi32, #tpu.memory_space<vmem>> -> memref<1x128xi32, #tpu.memory_space<vmem>>
    %dma_wait3A_75 = tpu.memref_squeeze %dma_wait3A_74 : memref<1x128xi32, #tpu.memory_space<vmem>> -> memref<128xi32, #tpu.memory_space<vmem>>
    %dma_wait3A_76 = arith.constant 0 : i32
    %dma_wait3A_77 = arith.constant 0 : i32
    %dma_wait3A_78 = tpu.memref_slice %arg2[%dma_wait3A_76, %dma_wait3A_77] : memref<2016x128xf32, #tpu.memory_space<hbm>> -> memref<2016x128xf32, #tpu.memory_space<hbm>>
    tpu.wait_indirect_dma semaphore(%arg7 : memref<!tpu.dma_semaphore, #tpu.memory_space<semaphore_mem>>) src(%dma_wait3A_78 : memref<2016x128xf32, #tpu.memory_space<hbm>>) dst(%dma_wait3A_72 : memref<128x128xf32, #tpu.memory_space<vmem>>)
    %dma_wait3A_79 = arith.constant 1 : i32
    %dma_wait3A_80 = arith.constant 128 : i32
    %dma_wait3A_81 = arith.constant 0 : i32
    %dma_wait3A_82 = tpu.memref_slice %arg6[%dma_wait3A_80, %dma_wait3A_81] : memref<896x128xf32, #tpu.memory_space<vmem>> -> memref<128x128xf32, #tpu.memory_space<vmem>>
    %dma_wait3A_83 = arith.constant 0 : i32
    %dma_wait3A_84 = tpu.memref_slice %arg5[%dma_wait3A_79, %dma_wait3A_83] : memref<7x128xi32, #tpu.memory_space<vmem>> -> memref<1x128xi32, #tpu.memory_space<vmem>>
    %dma_wait3A_85 = tpu.memref_squeeze %dma_wait3A_84 : memref<1x128xi32, #tpu.memory_space<vmem>> -> memref<128xi32, #tpu.memory_space<vmem>>
    %dma_wait3A_86 = arith.constant 0 : i32
    %dma_wait3A_87 = arith.constant 0 : i32
    %dma_wait3A_88 = tpu.memref_slice %arg2[%dma_wait3A_86, %dma_wait3A_87] : memref<2016x128xf32, #tpu.memory_space<hbm>> -> memref<2016x128xf32, #tpu.memory_space<hbm>>
    tpu.wait_indirect_dma semaphore(%arg7 : memref<!tpu.dma_semaphore, #tpu.memory_space<semaphore_mem>>) src(%dma_wait3A_88 : memref<2016x128xf32, #tpu.memory_space<hbm>>) dst(%dma_wait3A_82 : memref<128x128xf32, #tpu.memory_space<vmem>>)
    %dma_wait3A_89 = arith.constant 2 : i32
    %dma_wait3A_90 = arith.constant 256 : i32
    %dma_wait3A_91 = arith.constant 0 : i32
    %dma_wait3A_92 = tpu.memref_slice %arg6[%dma_wait3A_90, %dma_wait3A_91] : memref<896x128xf32, #tpu.memory_space<vmem>> -> memref<128x128xf32, #tpu.memory_space<vmem>>
    %dma_wait3A_93 = arith.constant 0 : i32
    %dma_wait3A_94 = tpu.memref_slice %arg5[%dma_wait3A_89, %dma_wait3A_93] : memref<7x128xi32, #tpu.memory_space<vmem>> -> memref<1x128xi32, #tpu.memory_space<vmem>>
    %dma_wait3A_95 = tpu.memref_squeeze %dma_wait3A_94 : memref<1x128xi32, #tpu.memory_space<vmem>> -> memref<128xi32, #tpu.memory_space<vmem>>
    %dma_wait3A_96 = arith.constant 0 : i32
    %dma_wait3A_97 = arith.constant 0 : i32
    %dma_wait3A_98 = tpu.memref_slice %arg2[%dma_wait3A_96, %dma_wait3A_97] : memref<2016x128xf32, #tpu.memory_space<hbm>> -> memref<2016x128xf32, #tpu.memory_space<hbm>>
    tpu.wait_indirect_dma semaphore(%arg7 : memref<!tpu.dma_semaphore, #tpu.memory_space<semaphore_mem>>) src(%dma_wait3A_98 : memref<2016x128xf32, #tpu.memory_space<hbm>>) dst(%dma_wait3A_92 : memref<128x128xf32, #tpu.memory_space<vmem>>)
    %dma_wait3A_99 = arith.constant 3 : i32
    %dma_wait3A_100 = arith.constant 384 : i32
    %dma_wait3A_101 = arith.constant 0 : i32
    %dma_wait3A_102 = tpu.memref_slice %arg6[%dma_wait3A_100, %dma_wait3A_101] : memref<896x128xf32, #tpu.memory_space<vmem>> -> memref<128x128xf32, #tpu.memory_space<vmem>>
    %dma_wait3A_103 = arith.constant 0 : i32
    %dma_wait3A_104 = tpu.memref_slice %arg5[%dma_wait3A_99, %dma_wait3A_103] : memref<7x128xi32, #tpu.memory_space<vmem>> -> memref<1x128xi32, #tpu.memory_space<vmem>>
    %dma_wait3A_105 = tpu.memref_squeeze %dma_wait3A_104 : memref<1x128xi32, #tpu.memory_space<vmem>> -> memref<128xi32, #tpu.memory_space<vmem>>
    %dma_wait3A_106 = arith.constant 0 : i32
    %dma_wait3A_107 = arith.constant 0 : i32
    %dma_wait3A_108 = tpu.memref_slice %arg2[%dma_wait3A_106, %dma_wait3A_107] : memref<2016x128xf32, #tpu.memory_space<hbm>> -> memref<2016x128xf32, #tpu.memory_space<hbm>>
    tpu.wait_indirect_dma semaphore(%arg7 : memref<!tpu.dma_semaphore, #tpu.memory_space<semaphore_mem>>) src(%dma_wait3A_108 : memref<2016x128xf32, #tpu.memory_space<hbm>>) dst(%dma_wait3A_102 : memref<128x128xf32, #tpu.memory_space<vmem>>)
    %dma_wait3A_109 = arith.constant 4 : i32
    %dma_wait3A_110 = arith.constant 512 : i32
    %dma_wait3A_111 = arith.constant 0 : i32
    %dma_wait3A_112 = tpu.memref_slice %arg6[%dma_wait3A_110, %dma_wait3A_111] : memref<896x128xf32, #tpu.memory_space<vmem>> -> memref<128x128xf32, #tpu.memory_space<vmem>>
    %dma_wait3A_113 = arith.constant 0 : i32
    %dma_wait3A_114 = tpu.memref_slice %arg5[%dma_wait3A_109, %dma_wait3A_113] : memref<7x128xi32, #tpu.memory_space<vmem>> -> memref<1x128xi32, #tpu.memory_space<vmem>>
    %dma_wait3A_115 = tpu.memref_squeeze %dma_wait3A_114 : memref<1x128xi32, #tpu.memory_space<vmem>> -> memref<128xi32, #tpu.memory_space<vmem>>
    %dma_wait3A_116 = arith.constant 0 : i32
    %dma_wait3A_117 = arith.constant 0 : i32
    %dma_wait3A_118 = tpu.memref_slice %arg2[%dma_wait3A_116, %dma_wait3A_117] : memref<2016x128xf32, #tpu.memory_space<hbm>> -> memref<2016x128xf32, #tpu.memory_space<hbm>>
    tpu.wait_indirect_dma semaphore(%arg7 : memref<!tpu.dma_semaphore, #tpu.memory_space<semaphore_mem>>) src(%dma_wait3A_118 : memref<2016x128xf32, #tpu.memory_space<hbm>>) dst(%dma_wait3A_112 : memref<128x128xf32, #tpu.memory_space<vmem>>)
    %dma_wait3A_119 = arith.constant 5 : i32
    %dma_wait3A_120 = arith.constant 640 : i32
    %dma_wait3A_121 = arith.constant 0 : i32
    %dma_wait3A_122 = tpu.memref_slice %arg6[%dma_wait3A_120, %dma_wait3A_121] : memref<896x128xf32, #tpu.memory_space<vmem>> -> memref<128x128xf32, #tpu.memory_space<vmem>>
    %dma_wait3A_123 = arith.constant 0 : i32
    %dma_wait3A_124 = tpu.memref_slice %arg5[%dma_wait3A_119, %dma_wait3A_123] : memref<7x128xi32, #tpu.memory_space<vmem>> -> memref<1x128xi32, #tpu.memory_space<vmem>>
    %dma_wait3A_125 = tpu.memref_squeeze %dma_wait3A_124 : memref<1x128xi32, #tpu.memory_space<vmem>> -> memref<128xi32, #tpu.memory_space<vmem>>
    %dma_wait3A_126 = arith.constant 0 : i32
    %dma_wait3A_127 = arith.constant 0 : i32
    %dma_wait3A_128 = tpu.memref_slice %arg2[%dma_wait3A_126, %dma_wait3A_127] : memref<2016x128xf32, #tpu.memory_space<hbm>> -> memref<2016x128xf32, #tpu.memory_space<hbm>>
    tpu.wait_indirect_dma semaphore(%arg7 : memref<!tpu.dma_semaphore, #tpu.memory_space<semaphore_mem>>) src(%dma_wait3A_128 : memref<2016x128xf32, #tpu.memory_space<hbm>>) dst(%dma_wait3A_122 : memref<128x128xf32, #tpu.memory_space<vmem>>)
    %dma_wait3A_129 = arith.constant 6 : i32
    %dma_wait3A_130 = arith.constant 768 : i32
    %dma_wait3A_131 = arith.constant 0 : i32
    %dma_wait3A_132 = tpu.memref_slice %arg6[%dma_wait3A_130, %dma_wait3A_131] : memref<896x128xf32, #tpu.memory_space<vmem>> -> memref<128x128xf32, #tpu.memory_space<vmem>>
    %dma_wait3A_133 = arith.constant 0 : i32
    %dma_wait3A_134 = tpu.memref_slice %arg5[%dma_wait3A_129, %dma_wait3A_133] : memref<7x128xi32, #tpu.memory_space<vmem>> -> memref<1x128xi32, #tpu.memory_space<vmem>>
    %dma_wait3A_135 = tpu.memref_squeeze %dma_wait3A_134 : memref<1x128xi32, #tpu.memory_space<vmem>> -> memref<128xi32, #tpu.memory_space<vmem>>
    %dma_wait3A_136 = arith.constant 0 : i32
    %dma_wait3A_137 = arith.constant 0 : i32
    %dma_wait3A_138 = tpu.memref_slice %arg2[%dma_wait3A_136, %dma_wait3A_137] : memref<2016x128xf32, #tpu.memory_space<hbm>> -> memref<2016x128xf32, #tpu.memory_space<hbm>>
    tpu.wait_indirect_dma semaphore(%arg7 : memref<!tpu.dma_semaphore, #tpu.memory_space<semaphore_mem>>) src(%dma_wait3A_138 : memref<2016x128xf32, #tpu.memory_space<hbm>>) dst(%dma_wait3A_132 : memref<128x128xf32, #tpu.memory_space<vmem>>)
    "tpu.region"() ({
      %run_scoped3A = tpu.sem_alloc : memref<!tpu.dma_semaphore, #tpu.memory_space<semaphore_mem>>
      %dma_start3A_139 = arith.constant 0 : i32
      %dma_start3A_140 = arith.constant 0 : i32
      %dma_start3A_141 = tpu.memref_slice %arg4[%add3A, %dma_start3A_139, %dma_start3A_140] : memref<32x896x128xf32, #tpu.memory_space<hbm>> -> memref<1x896x128xf32, #tpu.memory_space<hbm>>
      %dma_start3A_142 = tpu.memref_squeeze %dma_start3A_141 : memref<1x896x128xf32, #tpu.memory_space<hbm>> -> memref<896x128xf32, #tpu.memory_space<hbm>>
      %dma_start3A_143 = arith.constant 0 : i32
      %dma_start3A_144 = arith.constant 0 : i32
      %dma_start3A_145 = tpu.memref_slice %arg4[%add3A, %dma_start3A_143, %dma_start3A_144] : memref<32x896x128xf32, #tpu.memory_space<hbm>> -> memref<1x896x128xf32, #tpu.memory_space<hbm>>
      %dma_start3A_146 = tpu.memref_squeeze %dma_start3A_145 : memref<1x896x128xf32, #tpu.memory_space<hbm>> -> memref<896x128xf32, #tpu.memory_space<hbm>>
      tpu.enqueue_dma source(%arg6 : memref<896x128xf32, #tpu.memory_space<vmem>>) target(%dma_start3A_146 : memref<896x128xf32, #tpu.memory_space<hbm>>) target_semaphore(%run_scoped3A : memref<!tpu.dma_semaphore, #tpu.memory_space<semaphore_mem>>)
      %dma_wait3A_147 = arith.constant 0 : i32
      %dma_wait3A_148 = arith.constant 0 : i32
      %dma_wait3A_149 = tpu.memref_slice %arg4[%add3A, %dma_wait3A_147, %dma_wait3A_148] : memref<32x896x128xf32, #tpu.memory_space<hbm>> -> memref<1x896x128xf32, #tpu.memory_space<hbm>>
      %dma_wait3A_150 = tpu.memref_squeeze %dma_wait3A_149 : memref<1x896x128xf32, #tpu.memory_space<hbm>> -> memref<896x128xf32, #tpu.memory_space<hbm>>
      %dma_wait3A_151 = arith.constant 0 : i32
      %dma_wait3A_152 = arith.constant 0 : i32
      %dma_wait3A_153 = tpu.memref_slice %arg4[%add3A, %dma_wait3A_151, %dma_wait3A_152] : memref<32x896x128xf32, #tpu.memory_space<hbm>> -> memref<1x896x128xf32, #tpu.memory_space<hbm>>
      %dma_wait3A_154 = tpu.memref_squeeze %dma_wait3A_153 : memref<1x896x128xf32, #tpu.memory_space<hbm>> -> memref<896x128xf32, #tpu.memory_space<hbm>>
      tpu.wait_dma2 semaphore(%run_scoped3A : memref<!tpu.dma_semaphore, #tpu.memory_space<semaphore_mem>>) src(%arg6 : memref<896x128xf32, #tpu.memory_space<vmem>>) dst(%dma_wait3A_154 : memref<896x128xf32, #tpu.memory_space<hbm>>)
      tpu.yield
    }) : () -> ()
    return
  }
}

module attributes {stable_mosaic.version = 14 : i64} {
  func.func @_main_body(%arg0: i32, %arg1: memref<2x896x36xf32, #tpu.memory_space<vmem>>, %arg2: memref<2x896x128xf32, #tpu.memory_space<vmem>>, %arg3: memref<896x32xf32, #tpu.memory_space<vmem>>, %arg4: memref<896x32xf32, #tpu.memory_space<vmem>>, %arg5: memref<896x32xf32, #tpu.memory_space<vmem>>, %arg6: memref<896x40xf32, #tpu.memory_space<vmem>>, %arg7: memref<36x32xf32, #tpu.memory_space<vmem>>, %arg8: memref<1x32xf32, #tpu.memory_space<vmem>>, %arg9: memref<128x64xf32, #tpu.memory_space<vmem>>, %arg10: memref<1x64xf32, #tpu.memory_space<vmem>>, %arg11: memref<64x64xf32, #tpu.memory_space<vmem>>, %arg12: memref<1x64xf32, #tpu.memory_space<vmem>>, %arg13: memref<64x40xf32, #tpu.memory_space<vmem>>, %arg14: memref<1x40xf32, #tpu.memory_space<vmem>>, %arg15: memref<128x12xf32, #tpu.memory_space<vmem>>, %arg16: memref<1x12xf32, #tpu.memory_space<vmem>>, %arg17: memref<2x896x12xf32, #tpu.memory_space<vmem>>, %arg18: memref<896x896xf32, #tpu.memory_space<vmem>>) attributes {dimension_semantics = [#tpu.dimension_semantics<arbitrary>], iteration_bounds = array<i64: 16>, scalar_prefetch = 0 : i64, scratch_operands = 1 : i64, tpu.core_type = #tpu.core_type<tc>, window_params = [{transform_indices = @transform_0, window_bounds = array<i64: 2, 896, 36>}, {transform_indices = @transform_1, window_bounds = array<i64: 2, 896, 128>}, {pipeline_mode = #tpu.pipeline_mode<synchronous>, transform_indices = @transform_2, window_bounds = array<i64: 896, 32>}, {pipeline_mode = #tpu.pipeline_mode<synchronous>, transform_indices = @transform_3, window_bounds = array<i64: 896, 32>}, {pipeline_mode = #tpu.pipeline_mode<synchronous>, transform_indices = @transform_4, window_bounds = array<i64: 896, 32>}, {pipeline_mode = #tpu.pipeline_mode<synchronous>, transform_indices = @transform_5, window_bounds = array<i64: 896, 40>}, {pipeline_mode = #tpu.pipeline_mode<synchronous>, transform_indices = @transform_6, window_bounds = array<i64: 36, 32>}, {pipeline_mode = #tpu.pipeline_mode<synchronous>, transform_indices = @transform_7, window_bounds = array<i64: 1, 32>}, {pipeline_mode = #tpu.pipeline_mode<synchronous>, transform_indices = @transform_8, window_bounds = array<i64: 128, 64>}, {pipeline_mode = #tpu.pipeline_mode<synchronous>, transform_indices = @transform_9, window_bounds = array<i64: 1, 64>}, {pipeline_mode = #tpu.pipeline_mode<synchronous>, transform_indices = @transform_10, window_bounds = array<i64: 64, 64>}, {pipeline_mode = #tpu.pipeline_mode<synchronous>, transform_indices = @transform_11, window_bounds = array<i64: 1, 64>}, {pipeline_mode = #tpu.pipeline_mode<synchronous>, transform_indices = @transform_12, window_bounds = array<i64: 64, 40>}, {pipeline_mode = #tpu.pipeline_mode<synchronous>, transform_indices = @transform_13, window_bounds = array<i64: 1, 40>}, {pipeline_mode = #tpu.pipeline_mode<synchronous>, transform_indices = @transform_14, window_bounds = array<i64: 128, 12>}, {pipeline_mode = #tpu.pipeline_mode<synchronous>, transform_indices = @transform_15, window_bounds = array<i64: 1, 12>}, {transform_indices = @transform_16, window_bounds = array<i64: 2, 896, 12>}]} {
    %eq3A = arith.constant 0 : i32
    %eq3A_0 = arith.cmpi eq, %arg0, %eq3A : i32
    %convert_element_type3A = arith.extui %eq3A_0 : i1 to i32
    %cond3A = arith.constant 0 : i32
    %cond3A_1 = arith.cmpi ne, %convert_element_type3A, %cond3A : i32
    scf.if %cond3A_1 {
      %get3A_207 = arith.constant 0 : index
      %get3A_208 = arith.constant 0 : index
      %get3A_209 = vector.load %arg4[%get3A_207, %get3A_208] : memref<896x32xf32, #tpu.memory_space<vmem>>, vector<896x32xf32>
      %get3A_210 = arith.constant 0 : index
      %get3A_211 = arith.constant 0 : index
      %get3A_212 = vector.load %arg5[%get3A_210, %get3A_211] : memref<896x32xf32, #tpu.memory_space<vmem>>, vector<896x32xf32>
      %dot_general3A_213 = arith.constant dense<0.000000e+00> : vector<896x896xf32>
      %dot_general3A_214 = tpu.matmul %get3A_209, %get3A_212, %dot_general3A_213 {dimension_numbers = #tpu.dot_dimension_numbers<[1], [1], [0], [0], [0, 0, 1, 0], [], []>, transpose_lhs_hint = false} : vector<896x32xf32>, vector<896x32xf32>, vector<896x896xf32> -> vector<896x896xf32>
      %iota3A = tpu.iota {dimensions = array<i32: 0>} : vector<896x896xi32>
      %iota3A_215 = tpu.iota {dimensions = array<i32: 1>} : vector<896x896xi32>
      %lt3A = arith.constant 883 : i32
      %lt3A_216 = vector.broadcast %lt3A : i32 to vector<896x896xi32>
      %lt3A_217 = arith.cmpi slt, %iota3A, %lt3A_216 : vector<896x896xi32>
      %max3A_218 = arith.constant 0.000000e+00 : f32
      %max3A_219 = vector.broadcast %max3A_218 : f32 to vector<896x896xf32>
      %max3A_220 = arith.maximumf %dot_general3A_214, %max3A_219 : vector<896x896xf32>
      %jit3A_221 = arith.constant -1.000000e+30 : f32
      %broadcast_in_dim3A_222 = vector.broadcast %jit3A_221 : f32 to vector<896x896xf32>
      %select_n3A_223 = arith.select %lt3A_217, %max3A_220, %broadcast_in_dim3A_222 : vector<896x896xi1>, vector<896x896xf32>
      %reduce_max3A = arith.constant dense<0xFF800000> : vector<896xf32>
      %reduce_max3A_224 = vector.multi_reduction <maximumf>, %select_n3A_223, %reduce_max3A [0] : vector<896x896xf32> to vector<896xf32>
      %broadcast_in_dim3A_225 = vector.shape_cast %reduce_max3A_224 : vector<896xf32> to vector<1x896xf32>
      %sub3A = vector.broadcast %broadcast_in_dim3A_225 : vector<1x896xf32> to vector<896x896xf32>
      %sub3A_226 = arith.subf %select_n3A_223, %sub3A : vector<896x896xf32>
      %exp3A = math.exp %sub3A_226 : vector<896x896xf32>
      %reduce_sum3A = arith.constant dense<0.000000e+00> : vector<896xf32>
      %reduce_sum3A_227 = vector.multi_reduction <add>, %exp3A, %reduce_sum3A [0] : vector<896x896xf32> to vector<896xf32>
      %broadcast_in_dim3A_228 = vector.shape_cast %reduce_sum3A_227 : vector<896xf32> to vector<1x896xf32>
      %div3A = vector.broadcast %broadcast_in_dim3A_228 : vector<1x896xf32> to vector<896x896xf32>
      %div3A_229 = arith.divf %exp3A, %div3A : vector<896x896xf32>
      %broadcast_in_dim3A_230 = arith.constant 0 : i32
      %broadcast_in_dim3A_231 = vector.broadcast %broadcast_in_dim3A_230 : i32 to vector<1x896xi32>
      %broadcast_in_dim3A_232 = arith.constant 1065353217 : i32
      %broadcast_in_dim3A_233 = vector.broadcast %broadcast_in_dim3A_232 : i32 to vector<1x896xi32>
      %scan3A_234 = arith.constant 2.000000e+01 : f32
      %scan3A_235 = arith.constant 0 : i32
      %scan3A_236 = arith.constant 30 : i32
      %scan3A_237 = arith.addi %scan3A_235, %scan3A_236 : i32
      %scan3A_238 = arith.constant 1 : i32
      %scan3A_239:2 = scf.for %scan3A_271 = %scan3A_235 to %scan3A_237 step %scan3A_238 iter_args(%scan3A_272 = %broadcast_in_dim3A_231, %scan3A_273 = %broadcast_in_dim3A_233) -> (vector<1x896xi32>, vector<1x896xi32>)  : i32 {
        %sub3A_274 = arith.subi %scan3A_273, %scan3A_272 : vector<1x896xi32>
        %jit3A_275 = arith.constant 2 : i32
        %div3A_276 = vector.broadcast %jit3A_275 : i32 to vector<1x896xi32>
        %div3A_277 = arith.divsi %sub3A_274, %div3A_276 : vector<1x896xi32>
        %sign3A = arith.constant 0 : i32
        %sign3A_278 = vector.broadcast %sign3A : i32 to vector<1x896xi32>
        %sign3A_279 = arith.cmpi sgt, %sub3A_274, %sign3A_278 : vector<1x896xi32>
        %sign3A_280 = arith.extui %sign3A_279 : vector<1x896xi1> to vector<1x896xi32>
        %sign3A_281 = arith.constant 0 : i32
        %sign3A_282 = vector.broadcast %sign3A_281 : i32 to vector<1x896xi32>
        %sign3A_283 = arith.cmpi slt, %sub3A_274, %sign3A_282 : vector<1x896xi32>
        %sign3A_284 = arith.extui %sign3A_283 : vector<1x896xi1> to vector<1x896xi32>
        %sign3A_285 = arith.subi %sign3A_280, %sign3A_284 : vector<1x896xi32>
        %sign3A_286 = arith.constant 0 : i32
        %sign3A_287 = arith.cmpi sgt, %jit3A_275, %sign3A_286 : i32
        %sign3A_288 = arith.extui %sign3A_287 : i1 to i32
        %sign3A_289 = arith.constant 0 : i32
        %sign3A_290 = arith.cmpi slt, %jit3A_275, %sign3A_289 : i32
        %sign3A_291 = arith.extui %sign3A_290 : i1 to i32
        %sign3A_292 = arith.subi %sign3A_288, %sign3A_291 : i32
        %ne3A = vector.broadcast %sign3A_292 : i32 to vector<1x896xi32>
        %ne3A_293 = arith.cmpi ne, %sign3A_285, %ne3A : vector<1x896xi32>
        %rem3A = vector.broadcast %jit3A_275 : i32 to vector<1x896xi32>
        %rem3A_294 = arith.remsi %sub3A_274, %rem3A : vector<1x896xi32>
        %ne3A_295 = arith.constant 0 : i32
        %ne3A_296 = vector.broadcast %ne3A_295 : i32 to vector<1x896xi32>
        %ne3A_297 = arith.cmpi ne, %rem3A_294, %ne3A_296 : vector<1x896xi32>
        %and3A_298 = arith.andi %ne3A_293, %ne3A_297 : vector<1x896xi1>
        %sub3A_299 = arith.constant 1 : i32
        %sub3A_300 = vector.broadcast %sub3A_299 : i32 to vector<1x896xi32>
        %sub3A_301 = arith.subi %div3A_277, %sub3A_300 : vector<1x896xi32>
        %select_n3A_302 = arith.select %and3A_298, %sub3A_301, %div3A_277 : vector<1x896xi1>, vector<1x896xi32>
        %add3A_303 = arith.addi %scan3A_272, %select_n3A_302 : vector<1x896xi32>
        %bitcast_convert_type3A_304 = tpu.bitcast %add3A_303 : vector<1x896xi32> -> vector<1x896xf32>
        %ge3A_305 = vector.broadcast %bitcast_convert_type3A_304 : vector<1x896xf32> to vector<896x896xf32>
        %ge3A_306 = arith.cmpf oge, %div3A_229, %ge3A_305 : vector<896x896xf32>
        %convert_element_type3A_307 = arith.extui %ge3A_306 : vector<896x896xi1> to vector<896x896xi32>
        %convert_element_type3A_308 = arith.sitofp %convert_element_type3A_307 : vector<896x896xi32> to vector<896x896xf32>
        %reduce_sum3A_309 = arith.constant dense<0.000000e+00> : vector<896xf32>
        %reduce_sum3A_310 = vector.multi_reduction <add>, %convert_element_type3A_308, %reduce_sum3A_309 [0] : vector<896x896xf32> to vector<896xf32>
        %broadcast_in_dim3A_311 = vector.shape_cast %reduce_sum3A_310 : vector<896xf32> to vector<1x896xf32>
        %ge3A_312 = vector.broadcast %scan3A_234 : f32 to vector<1x896xf32>
        %ge3A_313 = arith.cmpf oge, %broadcast_in_dim3A_311, %ge3A_312 : vector<1x896xf32>
        %select_n3A_314 = arith.select %ge3A_313, %add3A_303, %scan3A_272 : vector<1x896xi1>, vector<1x896xi32>
        %select_n3A_315 = arith.select %ge3A_313, %scan3A_273, %add3A_303 : vector<1x896xi1>, vector<1x896xi32>
        scf.yield %select_n3A_314, %select_n3A_315 : vector<1x896xi32>, vector<1x896xi32>
      }
      %bitcast_convert_type3A_240 = tpu.bitcast %scan3A_239#0 : vector<1x896xi32> -> vector<1x896xf32>
      %gt3A = vector.broadcast %bitcast_convert_type3A_240 : vector<1x896xf32> to vector<896x896xf32>
      %gt3A_241 = arith.cmpf ogt, %div3A_229, %gt3A : vector<896x896xf32>
      %eq3A_242 = vector.broadcast %bitcast_convert_type3A_240 : vector<1x896xf32> to vector<896x896xf32>
      %eq3A_243 = arith.cmpf oeq, %div3A_229, %eq3A_242 : vector<896x896xf32>
      %and3A = arith.andi %eq3A_243, %lt3A_217 : vector<896x896xi1>
      %ge3A_244 = arith.cmpi sge, %iota3A, %iota3A_215 : vector<896x896xi32>
      %convert_element_type3A_245 = arith.extui %ge3A_244 : vector<896x896xi1> to vector<896x896xi32>
      %convert_element_type3A_246 = arith.sitofp %convert_element_type3A_245 : vector<896x896xi32> to vector<896x896xf32>
      %convert_element_type3A_247 = arith.extui %and3A : vector<896x896xi1> to vector<896x896xi32>
      %convert_element_type3A_248 = arith.sitofp %convert_element_type3A_247 : vector<896x896xi32> to vector<896x896xf32>
      %dot_general3A_249 = arith.constant dense<0.000000e+00> : vector<896x896xf32>
      %dot_general3A_250 = tpu.matmul %convert_element_type3A_246, %convert_element_type3A_248, %dot_general3A_249 {dimension_numbers = #tpu.dot_dimension_numbers<[1], [0], [0], [1], [0, 0, 1, 1], [], []>, transpose_lhs_hint = false} : vector<896x896xf32>, vector<896x896xf32>, vector<896x896xf32> -> vector<896x896xf32>
      %convert_element_type3A_251 = arith.extui %gt3A_241 : vector<896x896xi1> to vector<896x896xi32>
      %convert_element_type3A_252 = arith.sitofp %convert_element_type3A_251 : vector<896x896xi32> to vector<896x896xf32>
      %reduce_sum3A_253 = arith.constant dense<0.000000e+00> : vector<896xf32>
      %reduce_sum3A_254 = vector.multi_reduction <add>, %convert_element_type3A_252, %reduce_sum3A_253 [0] : vector<896x896xf32> to vector<896xf32>
      %broadcast_in_dim3A_255 = vector.shape_cast %reduce_sum3A_254 : vector<896xf32> to vector<1x896xf32>
      %sub3A_256 = arith.constant 2.000000e+01 : f32
      %sub3A_257 = vector.broadcast %sub3A_256 : f32 to vector<1x896xf32>
      %sub3A_258 = arith.subf %sub3A_257, %broadcast_in_dim3A_255 : vector<1x896xf32>
      %le3A = vector.broadcast %sub3A_258 : vector<1x896xf32> to vector<896x896xf32>
      %le3A_259 = arith.cmpf ole, %dot_general3A_250, %le3A : vector<896x896xf32>
      %and3A_260 = arith.andi %and3A, %le3A_259 : vector<896x896xi1>
      %or3A = arith.ori %gt3A_241, %and3A_260 : vector<896x896xi1>
      %eq3A_261 = arith.cmpi eq, %iota3A, %iota3A_215 : vector<896x896xi32>
      %convert_element_type3A_262 = arith.extui %eq3A_261 : vector<896x896xi1> to vector<896x896xi32>
      %convert_element_type3A_263 = arith.sitofp %convert_element_type3A_262 : vector<896x896xi32> to vector<896x896xf32>
      %jit3A_264 = arith.constant 0.000000e+00 : f32
      %broadcast_in_dim3A_265 = vector.broadcast %jit3A_264 : f32 to vector<896x896xf32>
      %select_n3A_266 = arith.select %or3A, %div3A_229, %broadcast_in_dim3A_265 : vector<896x896xi1>, vector<896x896xf32>
      %add3A_267 = arith.addf %select_n3A_266, %convert_element_type3A_263 : vector<896x896xf32>
      %swap3A_268 = arith.constant 0 : index
      %swap3A_269 = arith.constant 0 : index
      %swap3A_270 = vector.load %arg18[%swap3A_268, %swap3A_269] : memref<896x896xf32, #tpu.memory_space<vmem>>, vector<896x896xf32>
      tpu.vector_store %arg18[%swap3A_268, %swap3A_269], %add3A_267 {strides = array<i32>} : memref<896x896xf32, #tpu.memory_space<vmem>>, vector<896x896xf32>,
    } else {
    }
    %get3A = arith.constant 0 : index
    %get3A_2 = arith.constant 0 : index
    %get3A_3 = arith.constant 0 : index
    %get3A_4 = vector.load %arg1[%get3A, %get3A_2, %get3A_3] : memref<2x896x36xf32, #tpu.memory_space<vmem>>, vector<1x896x36xf32>
    %get3A_5 = vector.shape_cast %get3A_4 : vector<1x896x36xf32> to vector<896x36xf32>
    %get3A_6 = arith.constant 0 : index
    %get3A_7 = arith.constant 0 : index
    %get3A_8 = vector.load %arg7[%get3A_6, %get3A_7] : memref<36x32xf32, #tpu.memory_space<vmem>>, vector<36x32xf32>
    %dot_general3A = arith.constant dense<0.000000e+00> : vector<896x32xf32>
    %dot_general3A_9 = tpu.matmul %get3A_5, %get3A_8, %dot_general3A {dimension_numbers = #tpu.dot_dimension_numbers<[1], [0], [0], [1], [0, 0, 1, 1], [], []>, transpose_lhs_hint = false} : vector<896x36xf32>, vector<36x32xf32>, vector<896x32xf32> -> vector<896x32xf32>
    %get3A_10 = arith.constant 0 : index
    %get3A_11 = arith.constant 0 : index
    %get3A_12 = vector.load %arg8[%get3A_10, %get3A_11] : memref<1x32xf32, #tpu.memory_space<vmem>>, vector<1x32xf32>
    %add3A = vector.broadcast %get3A_12 : vector<1x32xf32> to vector<896x32xf32>
    %add3A_13 = arith.addf %dot_general3A_9, %add3A : vector<896x32xf32>
    %get3A_14 = arith.constant 0 : index
    %get3A_15 = arith.constant 0 : index
    %get3A_16 = vector.load %arg3[%get3A_14, %get3A_15] : memref<896x32xf32, #tpu.memory_space<vmem>>, vector<896x32xf32>
    %get3A_17 = arith.constant 0 : index
    %get3A_18 = arith.constant 0 : index
    %get3A_19 = arith.constant 0 : index
    %get3A_20 = vector.load %arg2[%get3A_17, %get3A_18, %get3A_19] : memref<2x896x128xf32, #tpu.memory_space<vmem>>, vector<1x896x128xf32>
    %get3A_21 = vector.shape_cast %get3A_20 : vector<1x896x128xf32> to vector<896x128xf32>
    %slice3A = vector.extract_strided_slice %get3A_21 {offsets = [0, 0], sizes = [896, 64], strides = [1, 1]} : vector<896x128xf32> to vector<896x64xf32>
    %concatenate3A = tpu.concatenate %add3A_13, %get3A_16, %slice3A in 1 : vector<896x32xf32>, vector<896x32xf32>, vector<896x64xf32> -> vector<896x128xf32>
    %get3A_22 = arith.constant 0 : index
    %get3A_23 = arith.constant 0 : index
    %get3A_24 = vector.load %arg9[%get3A_22, %get3A_23] : memref<128x64xf32, #tpu.memory_space<vmem>>, vector<128x64xf32>
    %dot_general3A_25 = arith.constant dense<0.000000e+00> : vector<896x64xf32>
    %dot_general3A_26 = tpu.matmul %concatenate3A, %get3A_24, %dot_general3A_25 {dimension_numbers = #tpu.dot_dimension_numbers<[1], [0], [0], [1], [0, 0, 1, 1], [], []>, transpose_lhs_hint = false} : vector<896x128xf32>, vector<128x64xf32>, vector<896x64xf32> -> vector<896x64xf32>
    %get3A_27 = arith.constant 0 : index
    %get3A_28 = arith.constant 0 : index
    %get3A_29 = vector.load %arg10[%get3A_27, %get3A_28] : memref<1x64xf32, #tpu.memory_space<vmem>>, vector<1x64xf32>
    %add3A_30 = vector.broadcast %get3A_29 : vector<1x64xf32> to vector<896x64xf32>
    %add3A_31 = arith.addf %dot_general3A_26, %add3A_30 : vector<896x64xf32>
    %max3A = arith.constant 0.000000e+00 : f32
    %max3A_32 = vector.broadcast %max3A : f32 to vector<896x64xf32>
    %max3A_33 = arith.maximumf %add3A_31, %max3A_32 : vector<896x64xf32>
    %get3A_34 = arith.constant 0 : index
    %get3A_35 = arith.constant 0 : index
    %get3A_36 = vector.load %arg11[%get3A_34, %get3A_35] : memref<64x64xf32, #tpu.memory_space<vmem>>, vector<64x64xf32>
    %dot_general3A_37 = arith.constant dense<0.000000e+00> : vector<896x64xf32>
    %dot_general3A_38 = tpu.matmul %max3A_33, %get3A_36, %dot_general3A_37 {dimension_numbers = #tpu.dot_dimension_numbers<[1], [0], [0], [1], [0, 0, 1, 1], [], []>, transpose_lhs_hint = false} : vector<896x64xf32>, vector<64x64xf32>, vector<896x64xf32> -> vector<896x64xf32>
    %get3A_39 = arith.constant 0 : index
    %get3A_40 = arith.constant 0 : index
    %get3A_41 = vector.load %arg12[%get3A_39, %get3A_40] : memref<1x64xf32, #tpu.memory_space<vmem>>, vector<1x64xf32>
    %add3A_42 = vector.broadcast %get3A_41 : vector<1x64xf32> to vector<896x64xf32>
    %add3A_43 = arith.addf %dot_general3A_38, %add3A_42 : vector<896x64xf32>
    %max3A_44 = arith.constant 0.000000e+00 : f32
    %max3A_45 = vector.broadcast %max3A_44 : f32 to vector<896x64xf32>
    %max3A_46 = arith.maximumf %add3A_43, %max3A_45 : vector<896x64xf32>
    %get3A_47 = arith.constant 0 : index
    %get3A_48 = arith.constant 0 : index
    %get3A_49 = vector.load %arg13[%get3A_47, %get3A_48] : memref<64x40xf32, #tpu.memory_space<vmem>>, vector<64x40xf32>
    %dot_general3A_50 = arith.constant dense<0.000000e+00> : vector<896x40xf32>
    %dot_general3A_51 = tpu.matmul %max3A_46, %get3A_49, %dot_general3A_50 {dimension_numbers = #tpu.dot_dimension_numbers<[1], [0], [0], [1], [0, 0, 1, 1], [], []>, transpose_lhs_hint = false} : vector<896x64xf32>, vector<64x40xf32>, vector<896x40xf32> -> vector<896x40xf32>
    %get3A_52 = arith.constant 0 : index
    %get3A_53 = arith.constant 0 : index
    %get3A_54 = vector.load %arg14[%get3A_52, %get3A_53] : memref<1x40xf32, #tpu.memory_space<vmem>>, vector<1x40xf32>
    %add3A_55 = vector.broadcast %get3A_54 : vector<1x40xf32> to vector<896x40xf32>
    %add3A_56 = arith.addf %dot_general3A_51, %add3A_55 : vector<896x40xf32>
    %get3A_57 = arith.constant 0 : index
    %get3A_58 = arith.constant 0 : index
    %get3A_59 = vector.load %arg6[%get3A_57, %get3A_58] : memref<896x40xf32, #tpu.memory_space<vmem>>, vector<896x40xf32>
    %mul3A = arith.mulf %get3A_59, %add3A_56 : vector<896x40xf32>
    %tanh3A = math.tanh %mul3A : vector<896x40xf32>
    %dot_general3A_60 = arith.constant dense<0.000000e+00> : vector<896x896xf32>
    %dot_general3A_61 = tpu.matmul %tanh3A, %tanh3A, %dot_general3A_60 {dimension_numbers = #tpu.dot_dimension_numbers<[1], [1], [0], [0], [0, 0, 1, 0], [], []>, transpose_lhs_hint = false} : vector<896x40xf32>, vector<896x40xf32>, vector<896x896xf32> -> vector<896x896xf32>
    %tanh3A_62 = math.tanh %dot_general3A_61 : vector<896x896xf32>
    %max3A_63 = arith.constant 0.000000e+00 : f32
    %max3A_64 = vector.broadcast %max3A_63 : f32 to vector<896x896xf32>
    %max3A_65 = arith.maximumf %tanh3A_62, %max3A_64 : vector<896x896xf32>
    %get3A_66 = arith.constant 1 : index
    %get3A_67 = arith.constant 0 : index
    %get3A_68 = arith.constant 0 : index
    %get3A_69 = vector.load %arg1[%get3A_66, %get3A_67, %get3A_68] : memref<2x896x36xf32, #tpu.memory_space<vmem>>, vector<1x896x36xf32>
    %get3A_70 = vector.shape_cast %get3A_69 : vector<1x896x36xf32> to vector<896x36xf32>
    %get3A_71 = arith.constant 0 : index
    %get3A_72 = arith.constant 0 : index
    %get3A_73 = vector.load %arg7[%get3A_71, %get3A_72] : memref<36x32xf32, #tpu.memory_space<vmem>>, vector<36x32xf32>
    %dot_general3A_74 = arith.constant dense<0.000000e+00> : vector<896x32xf32>
    %dot_general3A_75 = tpu.matmul %get3A_70, %get3A_73, %dot_general3A_74 {dimension_numbers = #tpu.dot_dimension_numbers<[1], [0], [0], [1], [0, 0, 1, 1], [], []>, transpose_lhs_hint = false} : vector<896x36xf32>, vector<36x32xf32>, vector<896x32xf32> -> vector<896x32xf32>
    %get3A_76 = arith.constant 0 : index
    %get3A_77 = arith.constant 0 : index
    %get3A_78 = vector.load %arg8[%get3A_76, %get3A_77] : memref<1x32xf32, #tpu.memory_space<vmem>>, vector<1x32xf32>
    %add3A_79 = vector.broadcast %get3A_78 : vector<1x32xf32> to vector<896x32xf32>
    %add3A_80 = arith.addf %dot_general3A_75, %add3A_79 : vector<896x32xf32>
    %get3A_81 = arith.constant 0 : index
    %get3A_82 = arith.constant 0 : index
    %get3A_83 = vector.load %arg3[%get3A_81, %get3A_82] : memref<896x32xf32, #tpu.memory_space<vmem>>, vector<896x32xf32>
    %get3A_84 = arith.constant 1 : index
    %get3A_85 = arith.constant 0 : index
    %get3A_86 = arith.constant 0 : index
    %get3A_87 = vector.load %arg2[%get3A_84, %get3A_85, %get3A_86] : memref<2x896x128xf32, #tpu.memory_space<vmem>>, vector<1x896x128xf32>
    %get3A_88 = vector.shape_cast %get3A_87 : vector<1x896x128xf32> to vector<896x128xf32>
    %slice3A_89 = vector.extract_strided_slice %get3A_88 {offsets = [0, 0], sizes = [896, 64], strides = [1, 1]} : vector<896x128xf32> to vector<896x64xf32>
    %concatenate3A_90 = tpu.concatenate %add3A_80, %get3A_83, %slice3A_89 in 1 : vector<896x32xf32>, vector<896x32xf32>, vector<896x64xf32> -> vector<896x128xf32>
    %get3A_91 = arith.constant 0 : index
    %get3A_92 = arith.constant 0 : index
    %get3A_93 = vector.load %arg9[%get3A_91, %get3A_92] : memref<128x64xf32, #tpu.memory_space<vmem>>, vector<128x64xf32>
    %dot_general3A_94 = arith.constant dense<0.000000e+00> : vector<896x64xf32>
    %dot_general3A_95 = tpu.matmul %concatenate3A_90, %get3A_93, %dot_general3A_94 {dimension_numbers = #tpu.dot_dimension_numbers<[1], [0], [0], [1], [0, 0, 1, 1], [], []>, transpose_lhs_hint = false} : vector<896x128xf32>, vector<128x64xf32>, vector<896x64xf32> -> vector<896x64xf32>
    %get3A_96 = arith.constant 0 : index
    %get3A_97 = arith.constant 0 : index
    %get3A_98 = vector.load %arg10[%get3A_96, %get3A_97] : memref<1x64xf32, #tpu.memory_space<vmem>>, vector<1x64xf32>
    %add3A_99 = vector.broadcast %get3A_98 : vector<1x64xf32> to vector<896x64xf32>
    %add3A_100 = arith.addf %dot_general3A_95, %add3A_99 : vector<896x64xf32>
    %max3A_101 = arith.constant 0.000000e+00 : f32
    %max3A_102 = vector.broadcast %max3A_101 : f32 to vector<896x64xf32>
    %max3A_103 = arith.maximumf %add3A_100, %max3A_102 : vector<896x64xf32>
    %get3A_104 = arith.constant 0 : index
    %get3A_105 = arith.constant 0 : index
    %get3A_106 = vector.load %arg11[%get3A_104, %get3A_105] : memref<64x64xf32, #tpu.memory_space<vmem>>, vector<64x64xf32>
    %dot_general3A_107 = arith.constant dense<0.000000e+00> : vector<896x64xf32>
    %dot_general3A_108 = tpu.matmul %max3A_103, %get3A_106, %dot_general3A_107 {dimension_numbers = #tpu.dot_dimension_numbers<[1], [0], [0], [1], [0, 0, 1, 1], [], []>, transpose_lhs_hint = false} : vector<896x64xf32>, vector<64x64xf32>, vector<896x64xf32> -> vector<896x64xf32>
    %get3A_109 = arith.constant 0 : index
    %get3A_110 = arith.constant 0 : index
    %get3A_111 = vector.load %arg12[%get3A_109, %get3A_110] : memref<1x64xf32, #tpu.memory_space<vmem>>, vector<1x64xf32>
    %add3A_112 = vector.broadcast %get3A_111 : vector<1x64xf32> to vector<896x64xf32>
    %add3A_113 = arith.addf %dot_general3A_108, %add3A_112 : vector<896x64xf32>
    %max3A_114 = arith.constant 0.000000e+00 : f32
    %max3A_115 = vector.broadcast %max3A_114 : f32 to vector<896x64xf32>
    %max3A_116 = arith.maximumf %add3A_113, %max3A_115 : vector<896x64xf32>
    %get3A_117 = arith.constant 0 : index
    %get3A_118 = arith.constant 0 : index
    %get3A_119 = vector.load %arg13[%get3A_117, %get3A_118] : memref<64x40xf32, #tpu.memory_space<vmem>>, vector<64x40xf32>
    %dot_general3A_120 = arith.constant dense<0.000000e+00> : vector<896x40xf32>
    %dot_general3A_121 = tpu.matmul %max3A_116, %get3A_119, %dot_general3A_120 {dimension_numbers = #tpu.dot_dimension_numbers<[1], [0], [0], [1], [0, 0, 1, 1], [], []>, transpose_lhs_hint = false} : vector<896x64xf32>, vector<64x40xf32>, vector<896x40xf32> -> vector<896x40xf32>
    %get3A_122 = arith.constant 0 : index
    %get3A_123 = arith.constant 0 : index
    %get3A_124 = vector.load %arg14[%get3A_122, %get3A_123] : memref<1x40xf32, #tpu.memory_space<vmem>>, vector<1x40xf32>
    %add3A_125 = vector.broadcast %get3A_124 : vector<1x40xf32> to vector<896x40xf32>
    %add3A_126 = arith.addf %dot_general3A_121, %add3A_125 : vector<896x40xf32>
    %get3A_127 = arith.constant 0 : index
    %get3A_128 = arith.constant 0 : index
    %get3A_129 = vector.load %arg6[%get3A_127, %get3A_128] : memref<896x40xf32, #tpu.memory_space<vmem>>, vector<896x40xf32>
    %mul3A_130 = arith.mulf %get3A_129, %add3A_126 : vector<896x40xf32>
    %tanh3A_131 = math.tanh %mul3A_130 : vector<896x40xf32>
    %dot_general3A_132 = arith.constant dense<0.000000e+00> : vector<896x896xf32>
    %dot_general3A_133 = tpu.matmul %tanh3A_131, %tanh3A_131, %dot_general3A_132 {dimension_numbers = #tpu.dot_dimension_numbers<[1], [1], [0], [0], [0, 0, 1, 0], [], []>, transpose_lhs_hint = false} : vector<896x40xf32>, vector<896x40xf32>, vector<896x896xf32> -> vector<896x896xf32>
    %tanh3A_134 = math.tanh %dot_general3A_133 : vector<896x896xf32>
    %max3A_135 = arith.constant 0.000000e+00 : f32
    %max3A_136 = vector.broadcast %max3A_135 : f32 to vector<896x896xf32>
    %max3A_137 = arith.maximumf %tanh3A_134, %max3A_136 : vector<896x896xf32>
    %broadcast_in_dim3A = arith.constant 0 : i32
    %broadcast_in_dim3A_138 = vector.broadcast %broadcast_in_dim3A : i32 to vector<1x896xi32>
    %broadcast_in_dim3A_139 = arith.constant 1065353217 : i32
    %broadcast_in_dim3A_140 = vector.broadcast %broadcast_in_dim3A_139 : i32 to vector<1x896xi32>
    %scan3A = arith.constant 2.000000e+01 : f32
    %scan3A_141 = arith.constant 0 : i32
    %scan3A_142 = arith.constant 30 : i32
    %scan3A_143 = arith.addi %scan3A_141, %scan3A_142 : i32
    %scan3A_144 = arith.constant 1 : i32
    %scan3A_145:4 = scf.for %scan3A_207 = %scan3A_141 to %scan3A_143 step %scan3A_144 iter_args(%scan3A_208 = %broadcast_in_dim3A_138, %scan3A_209 = %broadcast_in_dim3A_140, %scan3A_210 = %broadcast_in_dim3A_138, %scan3A_211 = %broadcast_in_dim3A_140) -> (vector<1x896xi32>, vector<1x896xi32>, vector<1x896xi32>, vector<1x896xi32>)  : i32 {
      %sub3A = arith.subi %scan3A_209, %scan3A_208 : vector<1x896xi32>
      %jit3A_212 = arith.constant 2 : i32
      %div3A = vector.broadcast %jit3A_212 : i32 to vector<1x896xi32>
      %div3A_213 = arith.divsi %sub3A, %div3A : vector<1x896xi32>
      %sign3A = arith.constant 0 : i32
      %sign3A_214 = vector.broadcast %sign3A : i32 to vector<1x896xi32>
      %sign3A_215 = arith.cmpi sgt, %sub3A, %sign3A_214 : vector<1x896xi32>
      %sign3A_216 = arith.extui %sign3A_215 : vector<1x896xi1> to vector<1x896xi32>
      %sign3A_217 = arith.constant 0 : i32
      %sign3A_218 = vector.broadcast %sign3A_217 : i32 to vector<1x896xi32>
      %sign3A_219 = arith.cmpi slt, %sub3A, %sign3A_218 : vector<1x896xi32>
      %sign3A_220 = arith.extui %sign3A_219 : vector<1x896xi1> to vector<1x896xi32>
      %sign3A_221 = arith.subi %sign3A_216, %sign3A_220 : vector<1x896xi32>
      %sign3A_222 = arith.constant 0 : i32
      %sign3A_223 = arith.cmpi sgt, %jit3A_212, %sign3A_222 : i32
      %sign3A_224 = arith.extui %sign3A_223 : i1 to i32
      %sign3A_225 = arith.constant 0 : i32
      %sign3A_226 = arith.cmpi slt, %jit3A_212, %sign3A_225 : i32
      %sign3A_227 = arith.extui %sign3A_226 : i1 to i32
      %sign3A_228 = arith.subi %sign3A_224, %sign3A_227 : i32
      %ne3A = vector.broadcast %sign3A_228 : i32 to vector<1x896xi32>
      %ne3A_229 = arith.cmpi ne, %sign3A_221, %ne3A : vector<1x896xi32>
      %rem3A = vector.broadcast %jit3A_212 : i32 to vector<1x896xi32>
      %rem3A_230 = arith.remsi %sub3A, %rem3A : vector<1x896xi32>
      %ne3A_231 = arith.constant 0 : i32
      %ne3A_232 = vector.broadcast %ne3A_231 : i32 to vector<1x896xi32>
      %ne3A_233 = arith.cmpi ne, %rem3A_230, %ne3A_232 : vector<1x896xi32>
      %and3A = arith.andi %ne3A_229, %ne3A_233 : vector<1x896xi1>
      %sub3A_234 = arith.constant 1 : i32
      %sub3A_235 = vector.broadcast %sub3A_234 : i32 to vector<1x896xi32>
      %sub3A_236 = arith.subi %div3A_213, %sub3A_235 : vector<1x896xi32>
      %select_n3A_237 = arith.select %and3A, %sub3A_236, %div3A_213 : vector<1x896xi1>, vector<1x896xi32>
      %add3A_238 = arith.addi %scan3A_208, %select_n3A_237 : vector<1x896xi32>
      %bitcast_convert_type3A_239 = tpu.bitcast %add3A_238 : vector<1x896xi32> -> vector<1x896xf32>
      %ge3A_240 = vector.broadcast %bitcast_convert_type3A_239 : vector<1x896xf32> to vector<896x896xf32>
      %ge3A_241 = arith.cmpf oge, %max3A_65, %ge3A_240 : vector<896x896xf32>
      %convert_element_type3A_242 = arith.extui %ge3A_241 : vector<896x896xi1> to vector<896x896xi32>
      %convert_element_type3A_243 = arith.sitofp %convert_element_type3A_242 : vector<896x896xi32> to vector<896x896xf32>
      %reduce_sum3A = arith.constant dense<0.000000e+00> : vector<896xf32>
      %reduce_sum3A_244 = vector.multi_reduction <add>, %convert_element_type3A_243, %reduce_sum3A [0] : vector<896x896xf32> to vector<896xf32>
      %broadcast_in_dim3A_245 = vector.shape_cast %reduce_sum3A_244 : vector<896xf32> to vector<1x896xf32>
      %ge3A_246 = vector.broadcast %scan3A : f32 to vector<1x896xf32>
      %ge3A_247 = arith.cmpf oge, %broadcast_in_dim3A_245, %ge3A_246 : vector<1x896xf32>
      %select_n3A_248 = arith.select %ge3A_247, %add3A_238, %scan3A_208 : vector<1x896xi1>, vector<1x896xi32>
      %select_n3A_249 = arith.select %ge3A_247, %scan3A_209, %add3A_238 : vector<1x896xi1>, vector<1x896xi32>
      %sub3A_250 = arith.subi %scan3A_211, %scan3A_210 : vector<1x896xi32>
      %jit3A_251 = arith.constant 2 : i32
      %div3A_252 = vector.broadcast %jit3A_251 : i32 to vector<1x896xi32>
      %div3A_253 = arith.divsi %sub3A_250, %div3A_252 : vector<1x896xi32>
      %sign3A_254 = arith.constant 0 : i32
      %sign3A_255 = vector.broadcast %sign3A_254 : i32 to vector<1x896xi32>
      %sign3A_256 = arith.cmpi sgt, %sub3A_250, %sign3A_255 : vector<1x896xi32>
      %sign3A_257 = arith.extui %sign3A_256 : vector<1x896xi1> to vector<1x896xi32>
      %sign3A_258 = arith.constant 0 : i32
      %sign3A_259 = vector.broadcast %sign3A_258 : i32 to vector<1x896xi32>
      %sign3A_260 = arith.cmpi slt, %sub3A_250, %sign3A_259 : vector<1x896xi32>
      %sign3A_261 = arith.extui %sign3A_260 : vector<1x896xi1> to vector<1x896xi32>
      %sign3A_262 = arith.subi %sign3A_257, %sign3A_261 : vector<1x896xi32>
      %sign3A_263 = arith.constant 0 : i32
      %sign3A_264 = arith.cmpi sgt, %jit3A_251, %sign3A_263 : i32
      %sign3A_265 = arith.extui %sign3A_264 : i1 to i32
      %sign3A_266 = arith.constant 0 : i32
      %sign3A_267 = arith.cmpi slt, %jit3A_251, %sign3A_266 : i32
      %sign3A_268 = arith.extui %sign3A_267 : i1 to i32
      %sign3A_269 = arith.subi %sign3A_265, %sign3A_268 : i32
      %ne3A_270 = vector.broadcast %sign3A_269 : i32 to vector<1x896xi32>
      %ne3A_271 = arith.cmpi ne, %sign3A_262, %ne3A_270 : vector<1x896xi32>
      %rem3A_272 = vector.broadcast %jit3A_251 : i32 to vector<1x896xi32>
      %rem3A_273 = arith.remsi %sub3A_250, %rem3A_272 : vector<1x896xi32>
      %ne3A_274 = arith.constant 0 : i32
      %ne3A_275 = vector.broadcast %ne3A_274 : i32 to vector<1x896xi32>
      %ne3A_276 = arith.cmpi ne, %rem3A_273, %ne3A_275 : vector<1x896xi32>
      %and3A_277 = arith.andi %ne3A_271, %ne3A_276 : vector<1x896xi1>
      %sub3A_278 = arith.constant 1 : i32
      %sub3A_279 = vector.broadcast %sub3A_278 : i32 to vector<1x896xi32>
      %sub3A_280 = arith.subi %div3A_253, %sub3A_279 : vector<1x896xi32>
      %select_n3A_281 = arith.select %and3A_277, %sub3A_280, %div3A_253 : vector<1x896xi1>, vector<1x896xi32>
      %add3A_282 = arith.addi %scan3A_210, %select_n3A_281 : vector<1x896xi32>
      %bitcast_convert_type3A_283 = tpu.bitcast %add3A_282 : vector<1x896xi32> -> vector<1x896xf32>
      %ge3A_284 = vector.broadcast %bitcast_convert_type3A_283 : vector<1x896xf32> to vector<896x896xf32>
      %ge3A_285 = arith.cmpf oge, %max3A_137, %ge3A_284 : vector<896x896xf32>
      %convert_element_type3A_286 = arith.extui %ge3A_285 : vector<896x896xi1> to vector<896x896xi32>
      %convert_element_type3A_287 = arith.sitofp %convert_element_type3A_286 : vector<896x896xi32> to vector<896x896xf32>
      %reduce_sum3A_288 = arith.constant dense<0.000000e+00> : vector<896xf32>
      %reduce_sum3A_289 = vector.multi_reduction <add>, %convert_element_type3A_287, %reduce_sum3A_288 [0] : vector<896x896xf32> to vector<896xf32>
      %broadcast_in_dim3A_290 = vector.shape_cast %reduce_sum3A_289 : vector<896xf32> to vector<1x896xf32>
      %ge3A_291 = vector.broadcast %scan3A : f32 to vector<1x896xf32>
      %ge3A_292 = arith.cmpf oge, %broadcast_in_dim3A_290, %ge3A_291 : vector<1x896xf32>
      %select_n3A_293 = arith.select %ge3A_292, %add3A_282, %scan3A_210 : vector<1x896xi1>, vector<1x896xi32>
      %select_n3A_294 = arith.select %ge3A_292, %scan3A_211, %add3A_282 : vector<1x896xi1>, vector<1x896xi32>
      scf.yield %select_n3A_248, %select_n3A_249, %select_n3A_293, %select_n3A_294 : vector<1x896xi32>, vector<1x896xi32>, vector<1x896xi32>, vector<1x896xi32>
    }
    %bitcast_convert_type3A = tpu.bitcast %scan3A_145#0 : vector<1x896xi32> -> vector<1x896xf32>
    %bitcast_convert_type3A_146 = tpu.bitcast %scan3A_145#2 : vector<1x896xi32> -> vector<1x896xf32>
    %ge3A = vector.broadcast %bitcast_convert_type3A : vector<1x896xf32> to vector<896x896xf32>
    %ge3A_147 = arith.cmpf oge, %max3A_65, %ge3A : vector<896x896xf32>
    %jit3A = arith.constant 0.000000e+00 : f32
    %broadcast_in_dim3A_148 = vector.broadcast %jit3A : f32 to vector<896x896xf32>
    %select_n3A = arith.select %ge3A_147, %max3A_65, %broadcast_in_dim3A_148 : vector<896x896xi1>, vector<896x896xf32>
    %get3A_149 = arith.constant 0 : index
    %get3A_150 = arith.constant 0 : index
    %get3A_151 = vector.load %arg18[%get3A_149, %get3A_150] : memref<896x896xf32, #tpu.memory_space<vmem>>, vector<896x896xf32>
    %dot_general3A_152 = arith.constant dense<0.000000e+00> : vector<896x128xf32>
    %dot_general3A_153 = tpu.matmul %get3A_151, %concatenate3A, %dot_general3A_152 {dimension_numbers = #tpu.dot_dimension_numbers<[0], [0], [1], [1], [0, 1, 1, 1], [], []>, transpose_lhs_hint = false} : vector<896x896xf32>, vector<896x128xf32>, vector<896x128xf32> -> vector<896x128xf32>
    %dot_general3A_154 = arith.constant dense<0.000000e+00> : vector<896x128xf32>
    %dot_general3A_155 = tpu.matmul %select_n3A, %concatenate3A, %dot_general3A_154 {dimension_numbers = #tpu.dot_dimension_numbers<[0], [0], [1], [1], [0, 1, 1, 1], [], []>, transpose_lhs_hint = false} : vector<896x896xf32>, vector<896x128xf32>, vector<896x128xf32> -> vector<896x128xf32>
    %add3A_156 = arith.addf %dot_general3A_153, %dot_general3A_155 : vector<896x128xf32>
    %max3A_157 = arith.constant 0.000000e+00 : f32
    %max3A_158 = vector.broadcast %max3A_157 : f32 to vector<896x128xf32>
    %max3A_159 = arith.maximumf %add3A_156, %max3A_158 : vector<896x128xf32>
    %get3A_160 = arith.constant 0 : index
    %get3A_161 = arith.constant 0 : index
    %get3A_162 = vector.load %arg15[%get3A_160, %get3A_161] : memref<128x12xf32, #tpu.memory_space<vmem>>, vector<128x12xf32>
    %dot_general3A_163 = arith.constant dense<0.000000e+00> : vector<896x12xf32>
    %dot_general3A_164 = tpu.matmul %max3A_159, %get3A_162, %dot_general3A_163 {dimension_numbers = #tpu.dot_dimension_numbers<[1], [0], [0], [1], [0, 0, 1, 1], [], []>, transpose_lhs_hint = false} : vector<896x128xf32>, vector<128x12xf32>, vector<896x12xf32> -> vector<896x12xf32>
    %get3A_165 = arith.constant 0 : index
    %get3A_166 = arith.constant 0 : index
    %get3A_167 = vector.load %arg16[%get3A_165, %get3A_166] : memref<1x12xf32, #tpu.memory_space<vmem>>, vector<1x12xf32>
    %add3A_168 = vector.broadcast %get3A_167 : vector<1x12xf32> to vector<896x12xf32>
    %add3A_169 = arith.addf %dot_general3A_164, %add3A_168 : vector<896x12xf32>
    %swap3A = arith.constant 0 : index
    %swap3A_170 = arith.constant 0 : index
    %swap3A_171 = arith.constant 0 : index
    %swap3A_172 = vector.load %arg17[%swap3A, %swap3A_170, %swap3A_171] : memref<2x896x12xf32, #tpu.memory_space<vmem>>, vector<1x896x12xf32>
    %swap3A_173 = vector.shape_cast %swap3A_172 : vector<1x896x12xf32> to vector<896x12xf32>
    %swap3A_174 = vector.shape_cast %add3A_169 : vector<896x12xf32> to vector<1x896x12xf32>
    tpu.vector_store %arg17[%swap3A, %swap3A_170, %swap3A_171], %swap3A_174 {strides = array<i32>} : memref<2x896x12xf32, #tpu.memory_space<vmem>>, vector<1x896x12xf32>,
    %ge3A_175 = vector.broadcast %bitcast_convert_type3A_146 : vector<1x896xf32> to vector<896x896xf32>
    %ge3A_176 = arith.cmpf oge, %max3A_137, %ge3A_175 : vector<896x896xf32>
    %jit3A_177 = arith.constant 0.000000e+00 : f32
    %broadcast_in_dim3A_178 = vector.broadcast %jit3A_177 : f32 to vector<896x896xf32>
    %select_n3A_179 = arith.select %ge3A_176, %max3A_137, %broadcast_in_dim3A_178 : vector<896x896xi1>, vector<896x896xf32>
    %get3A_180 = arith.constant 0 : index
    %get3A_181 = arith.constant 0 : index
    %get3A_182 = vector.load %arg18[%get3A_180, %get3A_181] : memref<896x896xf32, #tpu.memory_space<vmem>>, vector<896x896xf32>
    %dot_general3A_183 = arith.constant dense<0.000000e+00> : vector<896x128xf32>
    %dot_general3A_184 = tpu.matmul %get3A_182, %concatenate3A_90, %dot_general3A_183 {dimension_numbers = #tpu.dot_dimension_numbers<[0], [0], [1], [1], [0, 1, 1, 1], [], []>, transpose_lhs_hint = false} : vector<896x896xf32>, vector<896x128xf32>, vector<896x128xf32> -> vector<896x128xf32>
    %dot_general3A_185 = arith.constant dense<0.000000e+00> : vector<896x128xf32>
    %dot_general3A_186 = tpu.matmul %select_n3A_179, %concatenate3A_90, %dot_general3A_185 {dimension_numbers = #tpu.dot_dimension_numbers<[0], [0], [1], [1], [0, 1, 1, 1], [], []>, transpose_lhs_hint = false} : vector<896x896xf32>, vector<896x128xf32>, vector<896x128xf32> -> vector<896x128xf32>
    %add3A_187 = arith.addf %dot_general3A_184, %dot_general3A_186 : vector<896x128xf32>
    %max3A_188 = arith.constant 0.000000e+00 : f32
    %max3A_189 = vector.broadcast %max3A_188 : f32 to vector<896x128xf32>
    %max3A_190 = arith.maximumf %add3A_187, %max3A_189 : vector<896x128xf32>
    %get3A_191 = arith.constant 0 : index
    %get3A_192 = arith.constant 0 : index
    %get3A_193 = vector.load %arg15[%get3A_191, %get3A_192] : memref<128x12xf32, #tpu.memory_space<vmem>>, vector<128x12xf32>
    %dot_general3A_194 = arith.constant dense<0.000000e+00> : vector<896x12xf32>
    %dot_general3A_195 = tpu.matmul %max3A_190, %get3A_193, %dot_general3A_194 {dimension_numbers = #tpu.dot_dimension_numbers<[1], [0], [0], [1], [0, 0, 1, 1], [], []>, transpose_lhs_hint = false} : vector<896x128xf32>, vector<128x12xf32>, vector<896x12xf32> -> vector<896x12xf32>
    %get3A_196 = arith.constant 0 : index
    %get3A_197 = arith.constant 0 : index
    %get3A_198 = vector.load %arg16[%get3A_196, %get3A_197] : memref<1x12xf32, #tpu.memory_space<vmem>>, vector<1x12xf32>
    %add3A_199 = vector.broadcast %get3A_198 : vector<1x12xf32> to vector<896x12xf32>
    %add3A_200 = arith.addf %dot_general3A_195, %add3A_199 : vector<896x12xf32>
    %swap3A_201 = arith.constant 1 : index
    %swap3A_202 = arith.constant 0 : index
    %swap3A_203 = arith.constant 0 : index
    %swap3A_204 = vector.load %arg17[%swap3A_201, %swap3A_202, %swap3A_203] : memref<2x896x12xf32, #tpu.memory_space<vmem>>, vector<1x896x12xf32>
    %swap3A_205 = vector.shape_cast %swap3A_204 : vector<1x896x12xf32> to vector<896x12xf32>
    %swap3A_206 = vector.shape_cast %add3A_200 : vector<896x12xf32> to vector<1x896x12xf32>
    tpu.vector_store %arg17[%swap3A_201, %swap3A_202, %swap3A_203], %swap3A_206 {strides = array<i32>} : memref<2x896x12xf32, #tpu.memory_space<vmem>>, vector<1x896x12xf32>,
    return
  }
  func.func @transform_0(%arg0: i32) -> (i32, i32, i32) {
    %c0_i32 = arith.constant 0 : i32
    %c0_i32_0 = arith.constant 0 : i32
    %c0_i32_1 = arith.constant 0 : i32
    return %arg0, %c0_i32, %c0_i32_0 : i32, i32, i32
  }
  func.func @transform_1(%arg0: i32) -> (i32, i32, i32) {
    %c0_i32 = arith.constant 0 : i32
    %c0_i32_0 = arith.constant 0 : i32
    %c0_i32_1 = arith.constant 0 : i32
    return %arg0, %c0_i32, %c0_i32_0 : i32, i32, i32
  }
  func.func @transform_2(%arg0: i32) -> (i32, i32) {
    %c0_i32 = arith.constant 0 : i32
    %c0_i32_0 = arith.constant 0 : i32
    %c0_i32_1 = arith.constant 0 : i32
    return %c0_i32, %c0_i32_0 : i32, i32
  }
  func.func @transform_3(%arg0: i32) -> (i32, i32) {
    %c0_i32 = arith.constant 0 : i32
    %c0_i32_0 = arith.constant 0 : i32
    %c0_i32_1 = arith.constant 0 : i32
    return %c0_i32, %c0_i32_0 : i32, i32
  }
  func.func @transform_4(%arg0: i32) -> (i32, i32) {
    %c0_i32 = arith.constant 0 : i32
    %c0_i32_0 = arith.constant 0 : i32
    %c0_i32_1 = arith.constant 0 : i32
    return %c0_i32, %c0_i32_0 : i32, i32
  }
  func.func @transform_5(%arg0: i32) -> (i32, i32) {
    %c0_i32 = arith.constant 0 : i32
    %c0_i32_0 = arith.constant 0 : i32
    %c0_i32_1 = arith.constant 0 : i32
    return %c0_i32, %c0_i32_0 : i32, i32
  }
  func.func @transform_6(%arg0: i32) -> (i32, i32) {
    %c0_i32 = arith.constant 0 : i32
    %c0_i32_0 = arith.constant 0 : i32
    %c0_i32_1 = arith.constant 0 : i32
    return %c0_i32, %c0_i32_0 : i32, i32
  }
  func.func @transform_7(%arg0: i32) -> (i32, i32) {
    %c0_i32 = arith.constant 0 : i32
    %c0_i32_0 = arith.constant 0 : i32
    %c0_i32_1 = arith.constant 0 : i32
    return %c0_i32, %c0_i32_0 : i32, i32
  }
  func.func @transform_8(%arg0: i32) -> (i32, i32) {
    %c0_i32 = arith.constant 0 : i32
    %c0_i32_0 = arith.constant 0 : i32
    %c0_i32_1 = arith.constant 0 : i32
    return %c0_i32, %c0_i32_0 : i32, i32
  }
  func.func @transform_9(%arg0: i32) -> (i32, i32) {
    %c0_i32 = arith.constant 0 : i32
    %c0_i32_0 = arith.constant 0 : i32
    %c0_i32_1 = arith.constant 0 : i32
    return %c0_i32, %c0_i32_0 : i32, i32
  }
  func.func @transform_10(%arg0: i32) -> (i32, i32) {
    %c0_i32 = arith.constant 0 : i32
    %c0_i32_0 = arith.constant 0 : i32
    %c0_i32_1 = arith.constant 0 : i32
    return %c0_i32, %c0_i32_0 : i32, i32
  }
  func.func @transform_11(%arg0: i32) -> (i32, i32) {
    %c0_i32 = arith.constant 0 : i32
    %c0_i32_0 = arith.constant 0 : i32
    %c0_i32_1 = arith.constant 0 : i32
    return %c0_i32, %c0_i32_0 : i32, i32
  }
  func.func @transform_12(%arg0: i32) -> (i32, i32) {
    %c0_i32 = arith.constant 0 : i32
    %c0_i32_0 = arith.constant 0 : i32
    %c0_i32_1 = arith.constant 0 : i32
    return %c0_i32, %c0_i32_0 : i32, i32
  }
  func.func @transform_13(%arg0: i32) -> (i32, i32) {
    %c0_i32 = arith.constant 0 : i32
    %c0_i32_0 = arith.constant 0 : i32
    %c0_i32_1 = arith.constant 0 : i32
    return %c0_i32, %c0_i32_0 : i32, i32
  }
  func.func @transform_14(%arg0: i32) -> (i32, i32) {
    %c0_i32 = arith.constant 0 : i32
    %c0_i32_0 = arith.constant 0 : i32
    %c0_i32_1 = arith.constant 0 : i32
    return %c0_i32, %c0_i32_0 : i32, i32
  }
  func.func @transform_15(%arg0: i32) -> (i32, i32) {
    %c0_i32 = arith.constant 0 : i32
    %c0_i32_0 = arith.constant 0 : i32
    %c0_i32_1 = arith.constant 0 : i32
    return %c0_i32, %c0_i32_0 : i32, i32
  }
  func.func @transform_16(%arg0: i32) -> (i32, i32, i32) {
    %c0_i32 = arith.constant 0 : i32
    %c0_i32_0 = arith.constant 0 : i32
    %c0_i32_1 = arith.constant 0 : i32
    return %arg0, %c0_i32, %c0_i32_0 : i32, i32, i32
  }
}

</mosaic_0001>

<sc_bundles>
// kernel: kernel.4.cloned.1.call-start
scs
__scs_entry_jumppad:
0x0: {  	(pc) =	sbr.rel $0x88, $3  }
0x1: {  	(tag) =	ssettag $0x0;
	lr =	simm.s32 $0x1  }
0x2: {  	[smem:$0x3F90] =	sst lr;
	_ =	strace $0xD0000000  }
0x3: {  	_ = 	snop  }
0x4: {  	_ = 	snop  }
0x5: {  	_ = 	snop  }
0x6: {  	_ = 	snop  }
0x7: {  	_ = 	snop  }
__scs_overlays_trampoline_lowered:
0x8: {  	[smem:$0x3F9F] =	sst s0  }
0x9: {  	[smem:$0x3FA0] =	sst s1  }
0xa: {  	[smem:$0x3FA1] =	sst s2  }
0xb: {  	[smem:$0x3FA2] =	sst s3  }
0xc: {  	[smem:$0x3FA3] =	sst s4  }
0xd: {  	[smem:$0x3FA4] =	sst s5  }
0xe: {  	[smem:$0x3FA5] =	sst s6  }
0xf: {  	[smem:$0x3FA6] =	sst s7  }
0x10: {  	[smem:$0x3FA7] =	sst s8  }
0x11: {  	[smem:$0x3FA8] =	sst s9;
	s0 =	simm.s32 @!p0 $0x0  }
0x12: {  	s1 =	sld [smem:$0x3F8E];
	s0 =	simm.s32 @p0 $0x1  }
0x13: {  	[smem:$0x3FA9] =	sst s0;
	s0 =	simm.s32 @!p1 $0x0  }
0x14: {  	s2 =	sld [smem:$0x3F8D];
	s0 =	simm.s32 @p1 $0x1  }
0x15: {  	[smem:$0x3FAA] =	sst s0;
	s0 =	simm.s32 @!p2 $0x0  }
0x16: {  	s3 =	sld [smem:$0x3FDB];
	s0 =	simm.s32 @p2 $0x1  }
0x17: {  	s4 =	simm.s32 $0x1BF5;
	[smem:$0x3FAC] =	sst s0  }
0x18: {  	s0 =	sld [smem:$0x3F8F];
	_ =	swait.ge [sflag:s4], $0x0  }
0x19: {  	s7 =	sld [smem:$0x3F90]  }
0x1a: {  	s8 =	sadd.s32 $0xFFFFE003, lr  }
0x1b: {  	s9 =	sadd.s32 $0xFFFFFEF7, lr;
	s5 =	simm.s32 $0xFFFFFFFF;
	p2 =	slt.u32 s8, $0xFFFFF086  }
0x1c: {  	p1 =	slt.u32 s9, $0xF7A;
	s5 =	simm.s32 @!p2 $0x0  }
0x1d: {  	s5 =	simm.s32 @p1 $0x1;
	p0 =	seq.s32 s7, s2  }
0x1e: {  	s7 =	smul.u32 @!p0 $0xF7A, s2;
	p2 =	seq.s32 @!p0 s5, $0x0  }
0x1f: {  	s9 =	smul.u32 $0xF7A, s1;
	s8 =	simm.s32 @!p0 $0x1BF5;
	p2 =	por !p2, p0  }
0x20: {  	[sflag:s8] =	ssyncset.s32 @!p0 $0xFFFFF086;
	s6 =	sadd.s32 @!p0 s3, s7;
	s7 =	simm.s32 @!p0 $0x108  }
0x21: {  	s3 =	sadd.s32 s3, s9;
	s6 =	sadd.s32 @!p0 $0x88, s6;
	s7 =	simm.s32 @p2 $0x1082  }
0x22: {  	[simem:s7], [sflag:s8] =	dma.local @!p0 [hbm:s6], $0xF7A  }
0x23: {  	s9 =	sor.u32 $0xD0000000, s2;
	s6 =	simm.s32 $0x108;
	_ =	swait.ge @!p0 [sflag:s8], $0x0  }
0x24: {  	s3 =	sadd.s32 $0x88, s3;
	s6 =	simm.s32 @!p1 $0x1082;
	[sflag:s4] =	ssyncset.s32 $0xFFFFF086  }
0x25: {  	[simem:s6], [sflag:s4] =	dma.local [hbm:s3], $0xF7A  }
0x26: {  	[smem:$0x3F90] =	sst s1;
	(tag) =	ssettag s2;
	_ =	strace s9  }
0x27: {  	s1 =	sld [smem:$0x3FA0]  }
0x28: {  	s2 =	sld [smem:$0x3FA1]  }
0x29: {  	s4 =	sld [smem:$0x3FA3]  }
0x2a: {  	p0 =	seq.s32 s5, $0x0;
	s5 =	sld [smem:$0x3FA4]  }
0x2b: {  	s6 =	sld [smem:$0x3FA5]  }
0x2c: {  	s7 =	sld [smem:$0x3FA6]  }
0x2d: {  	s3 =	simm.s32 $0x108;
	s8 =	sld [smem:$0x3FA7]  }
0x2e: {  	s3 =	simm.s32 @!p0 $0x1082;
	s9 =	sld [smem:$0x3FA8]  }
0x2f: {  	lr =	sadd.s32 s0, s3;
	s0 =	sld [smem:$0x3F9F]  }
0x30: {  	s3 =	sld [smem:$0x3FA2]  }
0x31: {  	[smem:$0x3FAB] =	sst s10  }
0x32: {  	s10 =	sld [smem:$0x3FA9];
	_ =	sdelay $0x3  }
0x33: {  	p0 =	seq.s32 s10, $0x1;
	s10 =	sld [smem:$0x3FAB];
	_ =	sdelay $0x3  }
0x34: {  	[smem:$0x3FAB] =	sst s10  }
0x35: {  	s10 =	sld [smem:$0x3FAA];
	_ =	sdelay $0x3  }
0x36: {  	p1 =	seq.s32 s10, $0x1;
	s10 =	sld [smem:$0x3FAB];
	_ =	sdelay $0x3  }
0x37: {  	[smem:$0x3FAB] =	sst s10  }
0x38: {  	s10 =	sld [smem:$0x3FAC]  }
0x39: {  	_ = 	snop;
	(pc) =	sbr.ind lr, $3  }
0x3a: {  	_ = 	snop  }
0x3b: {  	_ = 	snop  }
0x3c: {  	p2 =	seq.s32 s10, $0x1;
	s10 =	sld [smem:$0x3FAB]  }
0x3d: {  	_ =	shalt  }
0x3e: {  	_ =	shalt  }
0x3f: {  	_ =	shalt  }
0x40: {  	_ =	shalt  }
0x41: {  	_ =	shalt  }
0x42: {  	_ =	shalt  }
0x43: {  	_ =	shalt  }
0x44: {  	_ =	shalt  }
0x45: {  	_ =	shalt  }
0x46: {  	_ =	shalt  }
0x47: {  	_ =	shalt  }
0x48: {  	_ =	shalt  }
0x49: {  	_ =	shalt  }
0x4a: {  	_ =	shalt  }
0x4b: {  	_ =	shalt  }
0x4c: {  	_ =	shalt  }
0x4d: {  	_ =	shalt  }
0x4e: {  	_ =	shalt  }
0x4f: {  	_ =	shalt  }
0x50: {  	_ =	shalt  }
0x51: {  	_ =	shalt  }
0x52: {  	_ =	shalt  }
0x53: {  	_ =	shalt  }
0x54: {  	_ =	shalt  }
0x55: {  	_ =	shalt  }
0x56: {  	_ =	shalt  }
0x57: {  	_ =	shalt  }
0x58: {  	_ =	shalt  }
0x59: {  	_ =	shalt  }
0x5a: {  	_ =	shalt  }
0x5b: {  	_ =	shalt  }
0x5c: {  	_ =	shalt  }
0x5d: {  	_ =	shalt  }
0x5e: {  	_ =	shalt  }
0x5f: {  	_ =	shalt  }
0x60: {  	_ =	shalt  }
0x61: {  	_ =	shalt  }
0x62: {  	_ =	shalt  }
0x63: {  	_ =	shalt  }
0x64: {  	_ =	shalt  }
0x65: {  	_ =	shalt  }
0x66: {  	_ =	shalt  }
0x67: {  	_ =	shalt  }
0x68: {  	_ =	shalt  }
0x69: {  	_ =	shalt  }
0x6a: {  	_ =	shalt  }
0x6b: {  	_ =	shalt  }
0x6c: {  	_ =	shalt  }
0x6d: {  	_ =	shalt  }
0x6e: {  	_ =	shalt  }
0x6f: {  	_ =	shalt  }
0x70: {  	_ =	shalt  }
0x71: {  	_ =	shalt  }
0x72: {  	_ =	shalt  }
0x73: {  	_ =	shalt  }
0x74: {  	_ =	shalt  }
0x75: {  	_ =	shalt  }
0x76: {  	_ =	shalt  }
0x77: {  	_ =	shalt  }
0x78: {  	_ =	shalt  }
0x79: {  	_ =	shalt  }
0x7a: {  	_ =	shalt  }
0x7b: {  	_ =	shalt  }
0x7c: {  	_ =	shalt  }
0x7d: {  	_ =	shalt  }
0x7e: {  	_ =	shalt  }
0x7f: {  	_ =	shalt  }
0x80: {  	_ =	shalt  }
0x81: {  	_ =	shalt  }
0x82: {  	_ =	shalt  }
0x83: {  	_ =	shalt  }
0x84: {  	_ =	shalt  }
0x85: {  	_ =	shalt  }
0x86: {  	_ =	shalt  }
0x87: {  	_ =	shalt  }
.Lfunc_end0:
.L_simem_size_0:
called_computation_lowered:
.L_overlay_start_0:
0x88: {  	s2 =	sld [smem:$0x3FD9]  }
0x89: {  	s3 =	sld [smem:$0x3FFE];
	_ =	sdelay $0x1  }
0x8a: {  	s1 =	srdreg.scid  }
0x8b: {  	s0 =	sand.u32 $0x1, s1  }
0x8c: {  	s17 =	sshll.u32 s0, $0xA;
	s2 =	sadd.s32 s3, s2  }
0x8d: {  	s2 =	sadd.s32 s2, s17  }
0x8e: {  	[smem:$0x3FB7] =	sst s2  }
0x8f: {  	_ = 	snop  }
0x90: {  	s2 =	sld [smem:$0x3FD0];
	(tm) =	ssettm $0x1  }
0x91: {  	s18 =	sld [smem:$0x3FFB];
	_ =	sdelay $0x3  }
0x92: {  	_ =	strace s18  }
0x93: {  	s3 =	sld [smem:$0x3FFC];
	_ =	sdelay $0x3  }
0x94: {  	_ =	strace s3  }
0x95: {  	s3 =	sld [smem:$0x3FFD];
	_ =	sdelay $0x3  }
0x96: {  	_ =	strace s3  }
0x97: {  	_ =	strace $0x8FFFFFFF  }
0x98: {  	s19 =	sld [smem:$0x3FDB];
	_ =	sdelay $0x1  }
0x99: {  	s4 =	simm.s32 $_scs_section_size  }
0x9a: {  	s5 =	simm.s32 $_size__tile_overlayer_lowered;
	s6 =	simm.s32 $_tile_overlayer_lowered  }
0x9b: {  	s22 =	simm.s32 $0x1BFF;
	s21 =	sshll.u32 s6, $0x1;
	s3 =	sadd.s32 s4, s19  }
0x9c: {  	s7 =	simm.s32 $0x0;
	s20 =	sshll.u32 s5, $0x1;
	s5 =	sadd.s32 s21, s3  }
0x9d: {  	[timem:s7], [sflag:s22] =	dma.local [hbm:s5], s20  }
0x9e: {  	_ =	swait.ge [sflag:s22], s20  }
0x9f: {  	s4 =	ssub.s32 $0x0, s20;
	[sflag:s22] =	ssyncset.done $0x0  }
0xa0: {  	[sflag:s22] =	ssyncadd.s32 s4;
	_ =	sdelay $0x1  }
0xa1: {  	s23 =	simm.s32 $0x1B8B  }
0xa2: {  	_ =	swait.ge [sflag:s23], $0x1  }
0xa3: {  	[sflag:s23] =	ssyncset.done $0x0  }
0xa4: {  	s25 =	simm.s32 $0x1B8E;
	s24 =	sld [smem:$0x3FFE];
	[sflag:s23] =	ssyncadd.s32 $0xFFFFFFFF  }
0xa5: {  	s26 =	simm.s32 $execute0_lowered;
	[smem:$0x3FD2] =	sst s25  }
0xa6: {  	s5 =	sshll.u32 s26, $0x1;
	_ =	strace $0x80000046;
	[dreg:$0x1] =	wrdreg $0xFFFFFFFF  }
0xa7: {  	s28 =	simm.s32 $_size_execute0_lowered;
	s3 =	sadd.s32 s3, s5;
	[dreg:$0x0] =	wrdreg $0x0  }
0xa8: {  	s5 =	sshll.u32 s28, $0x1;
	[dreg:$0x2] =	wrdreg s3  }
0xa9: {  	[dreg:$0x3] =	wrdreg s5  }
0xaa: {  	[dreg:$0x4] =	wrdreg $0xC0  }
0xab: {  	_ =	task [dreg:s7], $0x5FFFF  }
0xac: {  	[dreg:$0x1] =	wrdreg $0xFFFFFFFF  }
0xad: {  	[dreg:$0x0] =	wrdreg $0x60  }
0xae: {  	[dreg:$0x2] =	wrdreg s2  }
0xaf: {  	[dreg:$0x3] =	wrdreg s24  }
0xb0: {  	[dreg:$0x4] =	wrdreg $0x9  }
0xb1: {  	_ =	task.clear_ibuf [dreg:s7], $0x5FFFF;
	_ =	strace $0x90000046  }
0xb2: {  	s29 =	simm.s32 $0x9;
	_ =	strace $0x80000048  }
0xb3: {  	_ =	swait.ge [sflag:s29], $0x1  }
0xb4: {  	[sflag:s29] =	ssyncadd.s32 $0xFFFFFFFF  }
0xb5: {  	_ =	strace $0x90000048  }
0xb6: {  	_ =	sfence  }
0xb7: {  	s30 =	sld [smem:$0x0];
	_ =	sdelay $0x2  }
0xb8: {  	s31 =	sshll.u32 s1, $0xD;
	s1 =	sshrl.u32 s1, $0x2  }
0xb9: {  	s3 =	sand.u32 $0x4000, s31;
	s1 =	sadd.s32 s1, s30  }
0xba: {  	s0 =	sor.u32 s3, s0;
	s1 =	sshll.u32 s1, $0x11  }
0xbb: {  	s0 =	sor.u32 s1, s0  }
0xbc: {  	s0 =	sadd.s32 $0x8F2B, s0  }
0xbd: {  	[sflag:s0] =	ssyncadd.remote.s32 $0x1  }
0xbe: {  	_ =	sfence.sel $0xFFFF  }
0xbf: {  	[dreg:$0x0] =	wrdreg $0xFFFFFFFF;
	(pc) =	sbr.abs _section_cstart, $3  }
0xc0: {  	[dreg:$0x1] =	wrdreg $0xFFFFFFFF  }
0xc1: {  	_ =	task.clear_ibuf [dreg:s7], $0x2FFFF;
	_ =	strace $0x9FFFFFFF  }
0xc2: {  	(tm) =	ssettm $0x7FFFFFFF  }
0xc3: {  	_ =	shalt  }
tec
execute0_lowered:
.L_overlay_start_1:
0x0: {  	(tag) =	ssettag $0x1  }
0x1: {  	s1 =	srdreg.scid;
	s0 =	stileid.u32  }
0x2: {  	s2 =	rddreg [dreg:$0x0];
	s20 =	sand.u32 $0x1, s1;
	s29 =	sshll.u32 s0, $0x1  }
0x3: {  	s21 =	rddreg [dreg:$0x1];
	s22 =	sor.u32 s20, s29  }
0x4: {  	s3 =	simm.s32 $0x0;
	s1 =	rddreg [dreg:$0x2];
	s4 =	sshll.u32 s22, $0x7  }
0x5: {  	[smem:$0x7FF] =	sst s3;
	s4 =	sadd.s32 s4, s21  }
0x6: {  	_ =	strace $0x80000047;
	s5 =	sadd.s32 $0x2400, s4;
	s4 =	simm.s32 $0x2  }
0x7: {  	[tilespmem:s3], [sflag:$0x2] =	stream.linear.gather [hbm4b:s5+s3], $0x380, $0x38;
	[tilespmem:$0x1C400] =	vst v63  }
0x8: {  	_ =	swait.ge [sflag:s4], $0x380  }
0x9: {  	[sflag:s4] =	ssyncset.done $0x0  }
0xa: {  	s6 =	simm.s32 $0x80;
	s7 =	simm.s32 $0x400;
	[sflag:s4] =	ssyncadd.s32 $0xFFFFFC80  }
0xb: {  	[tilespmem:s7], [sflag:$0x1] =	stream.indirect.gather [hbm4b:s2+s6], $0x80, s3, s6, $0xb8;
	[tilespmem:$0x1C400] =	vst v63  }
0xc: {  	s8 =	simm.s32 $0x4400  }
0xd: {  	[tilespmem:s8], [sflag:$0x1] =	stream.indirect.gather [hbm4b:s2+s6], $0x80, s6, s6, $0xb8;
	[tilespmem:$0x1C400] =	vst v63  }
0xe: {  	s9 =	simm.s32 $0x100;
	s10 =	simm.s32 $0x8400  }
0xf: {  	[tilespmem:s10], [sflag:$0x1] =	stream.indirect.gather [hbm4b:s2+s6], $0x80, s9, s6, $0xb8;
	[tilespmem:$0x1C400] =	vst v63  }
0x10: {  	s11 =	simm.s32 $0x180;
	s12 =	simm.s32 $0xC400  }
0x11: {  	[tilespmem:s12], [sflag:$0x1] =	stream.indirect.gather [hbm4b:s2+s6], $0x80, s11, s6, $0xb8;
	[tilespmem:$0x1C400] =	vst v63  }
0x12: {  	s13 =	simm.s32 $0x200;
	s14 =	simm.s32 $0x10400  }
0x13: {  	[tilespmem:s14], [sflag:$0x1] =	stream.indirect.gather [hbm4b:s2+s6], $0x80, s13, s6, $0xb8;
	[tilespmem:$0x1C400] =	vst v63  }
0x14: {  	s15 =	simm.s32 $0x280;
	s16 =	simm.s32 $0x14400  }
0x15: {  	[tilespmem:s16], [sflag:$0x1] =	stream.indirect.gather [hbm4b:s2+s6], $0x80, s15, s6, $0xb8;
	[tilespmem:$0x1C400] =	vst v63  }
0x16: {  	s17 =	simm.s32 $0x300;
	s18 =	simm.s32 $0x18400;
	s19 =	simm.s32 $0x1  }
0x17: {  	[tilespmem:s18], [sflag:$0x1] =	stream.indirect.gather [hbm4b:s2+s6], $0x80, s17, s6, $0xb8;
	[tilespmem:$0x1C400] =	vst v63  }
0x18: {  	_ =	swait.ge [sflag:s19], $0x4000  }
0x19: {  	[sflag:s19] =	ssyncset.done $0x0  }
0x1a: {  	[sflag:s19] =	ssyncadd.s32 $0xFFFFC000  }
0x1b: {  	_ =	swait.ge [sflag:s19], $0x4000  }
0x1c: {  	[sflag:s19] =	ssyncset.done $0x0  }
0x1d: {  	[sflag:s19] =	ssyncadd.s32 $0xFFFFC000  }
0x1e: {  	_ =	swait.ge [sflag:s19], $0x4000  }
0x1f: {  	[sflag:s19] =	ssyncset.done $0x0  }
0x20: {  	[sflag:s19] =	ssyncadd.s32 $0xFFFFC000  }
0x21: {  	_ =	swait.ge [sflag:s19], $0x4000  }
0x22: {  	[sflag:s19] =	ssyncset.done $0x0  }
0x23: {  	[sflag:s19] =	ssyncadd.s32 $0xFFFFC000  }
0x24: {  	_ =	swait.ge [sflag:s19], $0x4000  }
0x25: {  	[sflag:s19] =	ssyncset.done $0x0  }
0x26: {  	s20 =	ssub.s32 $0x2, s20;
	[sflag:s19] =	ssyncadd.s32 $0xFFFFC000  }
0x27: {  	s23 =	sshrl.u32 s20, $0x1;
	_ =	swait.ge [sflag:s19], $0x4000  }
0x28: {  	s30 =	ssub.s32 s20, s23;
	[sflag:s19] =	ssyncset.done $0x0  }
0x29: {  	s22 =	smul.u32 $0x3800, s22;
	s31 =	smax.u32 s30, $0x1;
	[sflag:s19] =	ssyncadd.s32 $0xFFFFC000  }
0x2a: {  	p0 =	sne.s32 s31, $0x1;
	_ =	swait.ge [sflag:s19], $0x4000  }
.Ltmp0:
0x2b: {  	s21 =	sadd.s32 s22, s21;
	[sflag:s19] =	ssyncset.done $0x0;
	(pc) =	sbr.rel @!p0 .LBB2_2-.Ltmp0, $4  }
0x2c: {  	s20 =	sadd.s32 $0x3400, s21;
	[sflag:s19] =	ssyncadd.s32 $0xFFFFC000  }
0x2d: {  	[hbm4b:s20+s3] =	stream.linear.scatter [tilespmem:s7], [sflag:$0x2], $0x1C000, $0x38;
	[tilespmem:$0x1C400] =	vst v63  }
0x2e: {  	_ =	swait.ge [sflag:s4], $0x1C000  }
0x2f: {  	s21 =	sadd.s32 $0xFFFFFFFF, s31;
	[sflag:s4] =	ssyncset.done $0x0  }
.LBB2_1:
0x30: {  	p0 =	sne.s32 s21, $0x1;
	s21 =	sadd.s32 $0xFFFFFFFF, s21;
	[sflag:s4] =	ssyncadd.s32 $0xFFFE4000  }
0x31: {  	[tilespmem:s3], [sflag:$0x2] =	stream.linear.gather [hbm4b:s5+s3], $0x380, $0x38;
	[tilespmem:$0x1C400] =	vst v63  }
0x32: {  	_ =	swait.ge [sflag:s4], $0x380  }
0x33: {  	[sflag:s4] =	ssyncset.done $0x0  }
0x34: {  	[sflag:s4] =	ssyncadd.s32 $0xFFFFFC80  }
0x35: {  	[tilespmem:s7], [sflag:$0x1] =	stream.indirect.gather [hbm4b:s2+s6], $0x80, s3, s6, $0xb8;
	[tilespmem:$0x1C400] =	vst v63  }
0x36: {  	_ = 	snop  }
0x37: {  	[tilespmem:s8], [sflag:$0x1] =	stream.indirect.gather [hbm4b:s2+s6], $0x80, s6, s6, $0xb8;
	[tilespmem:$0x1C400] =	vst v63  }
0x38: {  	_ = 	snop  }
0x39: {  	[tilespmem:s10], [sflag:$0x1] =	stream.indirect.gather [hbm4b:s2+s6], $0x80, s9, s6, $0xb8;
	[tilespmem:$0x1C400] =	vst v63  }
0x3a: {  	_ = 	snop  }
0x3b: {  	[tilespmem:s12], [sflag:$0x1] =	stream.indirect.gather [hbm4b:s2+s6], $0x80, s11, s6, $0xb8;
	[tilespmem:$0x1C400] =	vst v63  }
0x3c: {  	_ = 	snop  }
0x3d: {  	[tilespmem:s14], [sflag:$0x1] =	stream.indirect.gather [hbm4b:s2+s6], $0x80, s13, s6, $0xb8;
	[tilespmem:$0x1C400] =	vst v63  }
0x3e: {  	_ = 	snop  }
0x3f: {  	[tilespmem:s16], [sflag:$0x1] =	stream.indirect.gather [hbm4b:s2+s6], $0x80, s15, s6, $0xb8;
	[tilespmem:$0x1C400] =	vst v63  }
0x40: {  	_ = 	snop  }
0x41: {  	[tilespmem:s18], [sflag:$0x1] =	stream.indirect.gather [hbm4b:s2+s6], $0x80, s17, s6, $0xb8;
	[tilespmem:$0x1C400] =	vst v63  }
0x42: {  	_ =	swait.ge [sflag:s19], $0x4000  }
0x43: {  	[sflag:s19] =	ssyncset.done $0x0  }
0x44: {  	[sflag:s19] =	ssyncadd.s32 $0xFFFFC000  }
0x45: {  	_ =	swait.ge [sflag:s19], $0x4000  }
0x46: {  	[sflag:s19] =	ssyncset.done $0x0  }
0x47: {  	[sflag:s19] =	ssyncadd.s32 $0xFFFFC000  }
0x48: {  	_ =	swait.ge [sflag:s19], $0x4000  }
0x49: {  	[sflag:s19] =	ssyncset.done $0x0  }
0x4a: {  	[sflag:s19] =	ssyncadd.s32 $0xFFFFC000  }
0x4b: {  	_ =	swait.ge [sflag:s19], $0x4000  }
0x4c: {  	[sflag:s19] =	ssyncset.done $0x0  }
0x4d: {  	[sflag:s19] =	ssyncadd.s32 $0xFFFFC000  }
0x4e: {  	_ =	swait.ge [sflag:s19], $0x4000  }
0x4f: {  	[sflag:s19] =	ssyncset.done $0x0  }
0x50: {  	[sflag:s19] =	ssyncadd.s32 $0xFFFFC000  }
0x51: {  	_ =	swait.ge [sflag:s19], $0x4000  }
0x52: {  	[sflag:s19] =	ssyncset.done $0x0  }
0x53: {  	[sflag:s19] =	ssyncadd.s32 $0xFFFFC000  }
0x54: {  	_ =	swait.ge [sflag:s19], $0x4000  }
.Ltmp1:
0x55: {  	[sflag:s19] =	ssyncset.done $0x0;
	(pc) =	sbr.rel @p0 .LBB2_1-.Ltmp1, $4  }
0x56: {  	[sflag:s19] =	ssyncadd.s32 $0xFFFFC000  }
0x57: {  	[hbm4b:s20+s3] =	stream.linear.scatter [tilespmem:s7], [sflag:$0x2], $0x1C000, $0x38;
	[tilespmem:$0x1C400] =	vst v63  }
0x58: {  	_ =	swait.ge [sflag:s4], $0x1C000  }
0x59: {  	[sflag:s4] =	ssyncset.done $0x0  }
.LBB2_2:
0x5a: {  	[sflag:s4] =	ssyncadd.s32 $0xFFFE4000  }
0x5b: {  	_ =	sfence.sel $0x180000  }
0x5c: {  	[bflag:$0x0] =	sbarrier.arrive $0xFFFF  }
0x5d: {  	p0 =	sne.s32 s0, $0x0;
	_ =	strace $0x90000047  }
0x5e: {  	s0 =	sadd.s32 @!p0 $0x100000, s1;
	[bflag:$0x2] =	sbarrier.arrive $0xFFFF  }
0x5f: {  	[sflag:s0] =	ssyncadd.tile.s32 @!p0 $0x1;
	_ =	shalt  }
.Lfunc_end2:
_tile_overlayer_lowered:
.L_overlay_start_2:
0x60: {  	(tag) =	ssettag $0x2  }
0x61: {  	s0 =	rddreg [dreg:$0x0];
	s2 =	stileid.u32  }
0x62: {  	s1 =	rddreg [dreg:$0x1];
	p0 =	sne.s32 s2, $0x0  }
0x63: {  	s3 =	rddreg [dreg:$0x2];
	[bflag:$0x3] =	sbarrier.arrive $0xFFFF;
	s2 =	simm.s32 @!p0 $0x1C02  }
0x64: {  	[timem:s3], [sflag:s2] =	dma.local @!p0 [hbm:s0], s1  }
0x65: {  	s0 =	simm.s32 @!p0 $0x2  }
0x66: {  	_ =	swait.ge @!p0 [sflag:s0], s1  }
0x67: {  	s1 =	ssub.s32 @!p0 $0x0, s1;
	[sflag:s0] =	ssyncset.done @!p0 $0x0  }
0x68: {  	[sflag:s0] =	ssyncadd.s32 @!p0 s1  }
0x69: {  	[bflag:$0x3] =	sbarrier.arrive $0xFFFF  }
0x6a: {  	_ =	shalt  }

</sc_bundles>
